<compile_context>
chip_gen: v7x
topology: tpu7x:2x2x1
jax: 0.10.2.dev20260603
libtpu: 0.0.44.dev20260713+nightly
codegen_flags: <defaults>
</compile_context>

<pallas_src>
import functools

import jax
import jax.numpy as jnp
from jax import lax
from jax.experimental import pallas as pl
from jax.experimental.pallas import tpu as pltpu
from jax.experimental.pallas import tpu_sc as plsc

_H = 1024
_E = 8
_FF = 1024
_SFF = 2048
_T = 2048
_A = 2 * _T
_EPS = 1e-6
_GB = 256
_NB = _A // _GB
_NITEMS = _NB + _E - 1
_NW = 32
_CHUNK = _T // _NW


def _mm(a, b):
    return jax.lax.dot_general(a, b, (((1,), (0,)), ((), ())),
                               preferred_element_type=jnp.float32)


def _mmx(a, b):
    return jax.lax.dot_general(a, b, (((1,), (0,)), ((), ())),
                               preferred_element_type=jnp.float32,
                               precision=jax.lax.Precision.HIGHEST)


def _mmT(a, b):
    return jax.lax.dot_general(a, b, (((1,), (1,)), ((), ())),
                               preferred_element_type=jnp.float32)


def _router_body(x_ref, nw_ref, gw_ref, h_ref, w1_ref, w2_ref, pos_ref,
                 meta_ref):
    x = x_ref[...]
    var = jnp.mean(x * x, axis=-1, keepdims=True)
    h = x * jax.lax.rsqrt(var + _EPS) * nw_ref[...]
    h_ref[...] = h

    logits = _mmT(h, gw_ref[...])
    m = jnp.max(logits, axis=-1, keepdims=True)
    ex = jnp.exp(logits - m)
    p = ex / jnp.sum(ex, axis=-1, keepdims=True)
    lanes = jax.lax.broadcasted_iota(jnp.int32, p.shape, 1)
    v1 = jnp.max(p, axis=-1, keepdims=True)
    i1 = jnp.min(jnp.where(p == v1, lanes, _E), axis=-1, keepdims=True)
    p2 = jnp.where(lanes == i1, -jnp.inf, p)
    v2 = jnp.max(p2, axis=-1, keepdims=True)
    i2 = jnp.min(jnp.where(p2 == v2, lanes, _E), axis=-1, keepdims=True)
    s = v1 + v2
    w1_ref[...] = v1 / s
    w2_ref[...] = v2 / s

    oh = jnp.concatenate([(lanes == i1).astype(jnp.float32),
                          (lanes == i2).astype(jnp.float32)], axis=0)

    cb = 512
    ir = jax.lax.broadcasted_iota(jnp.int32, (cb, cb), 0)
    ic = jax.lax.broadcasted_iota(jnp.int32, (cb, cb), 1)
    tri = (ir >= ic).astype(jnp.float32)
    carry = jnp.zeros((1, _E), jnp.float32)
    c_blocks = []
    for b in range(_A // cb):
        cblk = _mm(tri, oh[b * cb:(b + 1) * cb]) + carry
        c_blocks.append(cblk)
        carry = cblk[cb - 1:cb, :]
    cum = jnp.concatenate(c_blocks, axis=0)
    counts_row = carry

    ir8 = jax.lax.broadcasted_iota(jnp.int32, (_E, _E), 0)
    ic8 = jax.lax.broadcasted_iota(jnp.int32, (_E, _E), 1)
    off_row = _mmx(counts_row, (ir8 < ic8).astype(jnp.float32))
    posf = jnp.sum(oh * (cum - 1.0 + off_row), axis=1, keepdims=True)
    pos_ref[...] = posf.astype(jnp.int32)

    counts_col = jax.lax.dot_general(oh, jnp.ones((_A, 1), jnp.float32),
                                     (((0,), (0,)), ((), ())),
                                     preferred_element_type=jnp.float32)
    off_col = _mmx((ic8 < ir8).astype(jnp.float32), counts_col)

    l32r = jax.lax.broadcasted_iota(jnp.int32, (1, 32), 1)
    l32c = jax.lax.broadcasted_iota(jnp.int32, (32, 1), 0)
    ir832 = jax.lax.broadcasted_iota(jnp.int32, (_E, 32), 0)
    ic832 = jax.lax.broadcasted_iota(jnp.int32, (_E, 32), 1)
    mrow = ((ic832 == ir832 + 15) & (ir832 >= 1)).astype(jnp.float32)
    ir328 = jax.lax.broadcasted_iota(jnp.int32, (32, _E), 0)
    ic328 = jax.lax.broadcasted_iota(jnp.int32, (32, _E), 1)
    mcol = ((ir328 == ic328 + 15) & (ic328 >= 1)).astype(jnp.float32)

    starts_row = (jnp.where(l32r < 16, 256.0 * l32r.astype(jnp.float32), 0.0)
                  + _mmx(off_row, mrow)
                  + jnp.where(l32r >= 23, float(_A), 0.0))
    starts_col = (jnp.where(l32c < 16, 256.0 * l32c.astype(jnp.float32), 0.0)
                  + _mmx(mcol, off_col)
                  + jnp.where(l32c >= 23, float(_A), 0.0))

    jj = jax.lax.broadcasted_iota(jnp.int32, (32, 32), 0)
    kk = jax.lax.broadcasted_iota(jnp.int32, (32, 32), 1)
    lt = (starts_col > starts_row).astype(jnp.float32)
    eqb = ((starts_col == starts_row) & (kk < jj)).astype(jnp.float32)
    rank_col = _mm(lt + eqb, jnp.ones((32, 1), jnp.float32))
    perm = (rank_col == l32r).astype(jnp.float32)
    srt = _mmx(starts_row, perm)
    shift = (jj == kk + 1).astype(jnp.float32)
    nxt = _mmx(srt, shift)

    blkf = jnp.minimum(jnp.floor(srt / float(_GB)), float(_NB - 1))
    cmpe = ((off_col <= srt) & (ir832 >= 1)).astype(jnp.float32)
    expf = _mm(jnp.ones((1, _E), jnp.float32), cmpe)
    zero4 = jnp.zeros((4, 32), jnp.float32)
    meta_ref[...] = jnp.concatenate([blkf, expf, srt, nxt, zero4],
                                    axis=0).astype(jnp.int32)


def _group_body(meta_ref, hs_ref, up_ref, dn_ref, ys_ref):
    i = pl.program_id(0)
    blk = meta_ref[0, i]
    r0 = meta_ref[2, i]
    r1 = meta_ref[3, i]
    u = _mmT(hs_ref[...], up_ref[0])
    g = u[:, :_FF]
    v = u[:, _FF:]
    act = (g / (1.0 + jnp.exp(-g))) * v
    y = _mmT(act, dn_ref[0])
    row = blk * _GB + jax.lax.broadcasted_iota(jnp.int32, (_GB, 1), 0)
    maskf = ((row >= r0) & (row < r1)).astype(jnp.float32)
    contrib = y * maskf
    prev = meta_ref[0, jnp.maximum(i - 1, 0)]
    first = jnp.logical_or(i == 0, blk != prev)

    @pl.when(first)
    def _init():
        ys_ref[...] = contrib

    @pl.when(jnp.logical_not(first))
    def _acc():
        ys_ref[...] += contrib


def _sc_scatter_body(h_hbm, pos_hbm, out_hbm, hbuf, idx0, idx1, sem):
    wid = lax.axis_index("s") * 2 + lax.axis_index("c")
    base = wid * _CHUNK
    pltpu.sync_copy(h_hbm.at[pl.ds(base, _CHUNK)], hbuf)
    pltpu.sync_copy(pos_hbm.at[wid, 0], idx0)
    pltpu.sync_copy(pos_hbm.at[wid, 1], idx1)
    pltpu.async_copy(hbuf, out_hbm.at[idx0], sem).wait()
    pltpu.async_copy(hbuf, out_hbm.at[idx1], sem).wait()


def _sc_gather_body(ys_hbm, pos_hbm, out_hbm, buf, idx0, idx1, sem):
    wid = lax.axis_index("s") * 2 + lax.axis_index("c")
    base = wid * _CHUNK
    pltpu.sync_copy(pos_hbm.at[wid, 0], idx0)
    pltpu.sync_copy(pos_hbm.at[wid, 1], idx1)
    pltpu.async_copy(ys_hbm.at[idx0], buf, sem).wait()
    pltpu.sync_copy(buf, out_hbm.at[pl.ds(base, _CHUNK)])
    pltpu.async_copy(ys_hbm.at[idx1], buf, sem).wait()
    pltpu.sync_copy(buf, out_hbm.at[pl.ds(_T + base, _CHUNK)])


def _shared_body(x_ref, h_ref, su_ref, sd_ref, o_ref):
    u = _mmT(h_ref[...], su_ref[...])
    g = u[:, :_SFF]
    v = u[:, _SFF:]
    act = (g / (1.0 + jnp.exp(-g))) * v
    y = _mmT(act, sd_ref[...])
    o_ref[...] = x_ref[...] + y


def _final_body(b_ref, g0_ref, g1_ref, w1_ref, w2_ref, o_ref):
    o_ref[...] = (b_ref[...] + w1_ref[...] * g0_ref[...]
                  + w2_ref[...] * g1_ref[...])


@functools.cache
def _sc_kernels():
    mesh = plsc.VectorSubcoreMesh(core_axis_name="c", subcore_axis_name="s")
    scratch = [
        pltpu.VMEM((_CHUNK, _H), jnp.float32),
        pltpu.VMEM((_CHUNK,), jnp.int32),
        pltpu.VMEM((_CHUNK,), jnp.int32),
        pltpu.SemaphoreType.DMA,
    ]
    scatter = pl.kernel(
        _sc_scatter_body,
        out_type=jax.ShapeDtypeStruct((_A, _H), jnp.float32),
        mesh=mesh,
        scratch_types=scratch,
    )
    gather = pl.kernel(
        _sc_gather_body,
        out_type=jax.ShapeDtypeStruct((_A, _H), jnp.float32),
        mesh=mesh,
        scratch_types=scratch,
    )
    return scatter, gather


@jax.jit
def kernel(x, ffn_norm_w, gate_w, up_w, down_w, shared_up_w, shared_down_w):
    nw = ffn_norm_w.reshape(1, _H)

    h, w1n, w2n, pos, meta = pl.pallas_call(
        _router_body,
        out_shape=[
            jax.ShapeDtypeStruct((_T, _H), jnp.float32),
            jax.ShapeDtypeStruct((_T, 1), jnp.float32),
            jax.ShapeDtypeStruct((_T, 1), jnp.float32),
            jax.ShapeDtypeStruct((_A, 1), jnp.int32),
            jax.ShapeDtypeStruct((_E, 32), jnp.int32),
        ],
    )(x, nw, gate_w)

    pos_tiles = pos.reshape(2, _NW, _CHUNK).transpose(1, 0, 2)

    sb = 256
    base = pl.pallas_call(
        _shared_body,
        grid=(_T // sb,),
        in_specs=[
            pl.BlockSpec((sb, _H), lambda t: (t, 0)),
            pl.BlockSpec((sb, _H), lambda t: (t, 0)),
            pl.BlockSpec((2 * _SFF, _H), lambda t: (0, 0)),
            pl.BlockSpec((_H, _SFF), lambda t: (0, 0)),
        ],
        out_specs=pl.BlockSpec((sb, _H), lambda t: (t, 0)),
        out_shape=jax.ShapeDtypeStruct((_T, _H), jnp.float32),
    )(x, h, shared_up_w, shared_down_w)

    sc_scatter, sc_gather = _sc_kernels()
    hs = sc_scatter(h, pos_tiles)

    grid_spec = pltpu.PrefetchScalarGridSpec(
        num_scalar_prefetch=1,
        grid=(_NITEMS,),
        in_specs=[
            pl.BlockSpec((_GB, _H), lambda i, m: (m[0, i], 0)),
            pl.BlockSpec((1, 2 * _FF, _H), lambda i, m: (m[1, i], 0, 0)),
            pl.BlockSpec((1, _H, _FF), lambda i, m: (m[1, i], 0, 0)),
        ],
        out_specs=pl.BlockSpec((_GB, _H), lambda i, m: (m[0, i], 0)),
    )
    ys = pl.pallas_call(
        _group_body,
        grid_spec=grid_spec,
        out_shape=jax.ShapeDtypeStruct((_A, _H), jnp.float32),
    )(meta, hs, up_w, down_w)

    gk = sc_gather(ys, pos_tiles)

    out = pl.pallas_call(
        _final_body,
        grid=(_T // sb,),
        in_specs=[
            pl.BlockSpec((sb, _H), lambda t: (t, 0)),
            pl.BlockSpec((sb, _H), lambda t: (t, 0)),
            pl.BlockSpec((sb, _H), lambda t: (t + _T // sb, 0)),
            pl.BlockSpec((sb, 1), lambda t: (t, 0)),
            pl.BlockSpec((sb, 1), lambda t: (t, 0)),
        ],
        out_specs=pl.BlockSpec((sb, _H), lambda t: (t, 0)),
        out_shape=jax.ShapeDtypeStruct((_T, _H), jnp.float32),
    )(base, gk, gk, w1n, w2n)
    return out

# --- scband reference (transcript-rebuilt; emitter-appended) ---
"""Pipeline reference for scband-transformer-block-32469952758515 (READ-ONLY COPY).

The authoritative reference and input builder live on the scoring server;
editing this copy changes nothing except your own understanding.
"""

import jax, jax.numpy as jnp
import numpy as np

HIDDEN = 1024
NUM_EXPERTS = 8
TOP_K = 2
MOE_FF = 1024
SHARED_FF = 2 * MOE_FF
TOKENS = 2048
SCALING = 1.0
EPS = 1e-6

def rmsnorm(x, w):
    var = jnp.mean(x * x, axis=-1, keepdims=True)
    return x * jax.lax.rsqrt(var + EPS) * w

def swiglu(u):
    g, v = jnp.split(u, 2, axis=-1)
    return jax.nn.silu(g) * v

def setup_inputs(seed: int = 0) -> dict:
    key = jax.random.key(seed)
    ks = jax.random.split(key, 7)
    x = jax.random.normal(ks[0], (TOKENS, HIDDEN), dtype=jnp.float32)
    ffn_norm_w = jnp.ones((HIDDEN,), dtype=jnp.float32)
    gate_w = 0.02 * jax.random.normal(ks[1], (NUM_EXPERTS, HIDDEN), dtype=jnp.float32)
    up_w = 0.02 * jax.random.normal(ks[2], (NUM_EXPERTS, 2 * MOE_FF, HIDDEN), dtype=jnp.float32)
    down_w = 0.02 * jax.random.normal(ks[3], (NUM_EXPERTS, HIDDEN, MOE_FF), dtype=jnp.float32)
    shared_up_w = 0.02 * jax.random.normal(ks[4], (2 * SHARED_FF, HIDDEN), dtype=jnp.float32)
    shared_down_w = 0.02 * jax.random.normal(ks[5], (HIDDEN, SHARED_FF), dtype=jnp.float32)
    return {"x": x, "ffn_norm_w": ffn_norm_w, "gate_w": gate_w, "up_w": up_w,
            "down_w": down_w, "shared_up_w": shared_up_w, "shared_down_w": shared_down_w}

def reference(x, ffn_norm_w, gate_w, up_w, down_w, shared_up_w, shared_down_w):
    # pre-FFN RMSNorm
    h = rmsnorm(x, ffn_norm_w)
    # router: softmax gating + greedy top-k, normalized probs, scaling factor
    logits = h @ gate_w.T
    probs = jax.nn.softmax(logits, axis=-1)
    top_vals, top_idx = jax.lax.top_k(probs, TOP_K)
    top_vals = top_vals / jnp.sum(top_vals, axis=-1, keepdims=True)
    top_vals = top_vals * SCALING
    # dense combine weights [T, E]: zero for non-selected experts (exact MoE math)
    combine = jnp.sum(jax.nn.one_hot(top_idx, NUM_EXPERTS, dtype=h.dtype) * top_vals[..., None], axis=1)
    # routed experts: fused gate+up projection, SwiGLU, down projection
    u = jnp.einsum('td,efd->tef', h, up_w)
    act = swiglu(u)
    y = jnp.einsum('tef,edf->ted', act, down_w)
    moe_out = jnp.sum(y * combine[..., None], axis=1)
    # shared experts (always-on SwiGLU MLP)
    shared_out = swiglu(h @ shared_up_w.T) @ shared_down_w.T
    # residual
    return x + moe_out + shared_out

if __name__ == "__main__":
    import jax
    _d = setup_inputs()
    print(jax.jit(kernel)(*tuple(_d.values())))

</pallas_src>

<mosaic_0001>
#map = affine_map<(d0, d1) -> (0, 0)>
#map1 = affine_map<(d0, d1) -> (0, 0, 0)>
module attributes {stable_mosaic.version = 14 : i64} {
  func.func @_sc_scatter_body(%arg0: i32, %arg1: i32, %arg2: memref<2048x1024xf32, #tpu.memory_space<hbm>>, %arg3: memref<32x2x64xi32, #tpu.memory_space<hbm>>, %arg4: memref<4096x1024xf32, #tpu.memory_space<hbm>>, %arg5: memref<64x1024xf32, #tpu.memory_space<vmem>>, %arg6: memref<64xi32, #tpu.memory_space<vmem>>, %arg7: memref<64xi32, #tpu.memory_space<vmem>>, %arg8: memref<!tpu.dma_semaphore, #tpu.memory_space<semaphore_mem>>) attributes {dimension_semantics = [#tpu.dimension_semantics<core_parallel>, #tpu.dimension_semantics<subcore_parallel>], iteration_bounds = array<i64: 2, 16>, scalar_prefetch = 0 : i64, scratch_operands = 4 : i64, tpu.core_type = #tpu.core_type<sc_vector_subcore>, window_params = [{transform_indices = #map}, {transform_indices = #map1}, {transform_indices = #map}]} {
    %mul3A = arith.constant 2 : i32
    %mul3A_0 = arith.muli %arg1, %mul3A : i32
    %add3A = arith.addi %mul3A_0, %arg0 : i32
    %mul3A_1 = arith.constant 64 : i32
    %mul3A_2 = arith.muli %add3A, %mul3A_1 : i32
    "tpu.region"() ({
      %run_scoped3A_14 = tpu.sem_alloc : memref<!tpu.dma_semaphore, #tpu.memory_space<semaphore_mem>>
      %dma_start3A_15 = arith.constant 0 : i32
      %dma_start3A_16 = tpu.memref_slice %arg2[%mul3A_2, %dma_start3A_15] : memref<2048x1024xf32, #tpu.memory_space<hbm>> -> memref<64x1024xf32, #tpu.memory_space<hbm>>
      %dma_start3A_17 = arith.constant 0 : i32
      %dma_start3A_18 = tpu.memref_slice %arg2[%mul3A_2, %dma_start3A_17] : memref<2048x1024xf32, #tpu.memory_space<hbm>> -> memref<64x1024xf32, #tpu.memory_space<hbm>>
      tpu.enqueue_dma source(%dma_start3A_18 : memref<64x1024xf32, #tpu.memory_space<hbm>>) target(%arg5 : memref<64x1024xf32, #tpu.memory_space<vmem>>) target_semaphore(%run_scoped3A_14 : memref<!tpu.dma_semaphore, #tpu.memory_space<semaphore_mem>>)
      %dma_wait3A_19 = arith.constant 0 : i32
      %dma_wait3A_20 = tpu.memref_slice %arg2[%mul3A_2, %dma_wait3A_19] : memref<2048x1024xf32, #tpu.memory_space<hbm>> -> memref<64x1024xf32, #tpu.memory_space<hbm>>
      %dma_wait3A_21 = arith.constant 0 : i32
      %dma_wait3A_22 = tpu.memref_slice %arg2[%mul3A_2, %dma_wait3A_21] : memref<2048x1024xf32, #tpu.memory_space<hbm>> -> memref<64x1024xf32, #tpu.memory_space<hbm>>
      tpu.wait_dma2 semaphore(%run_scoped3A_14 : memref<!tpu.dma_semaphore, #tpu.memory_space<semaphore_mem>>) src(%dma_wait3A_22 : memref<64x1024xf32, #tpu.memory_space<hbm>>) dst(%arg5 : memref<64x1024xf32, #tpu.memory_space<vmem>>)
      tpu.yield
    }) : () -> ()
    %run_scoped3A = arith.constant 0 : i32
    "tpu.region"() ({
      %run_scoped3A_14 = tpu.sem_alloc : memref<!tpu.dma_semaphore, #tpu.memory_space<semaphore_mem>>
      %dma_start3A_15 = arith.constant 0 : i32
      %dma_start3A_16 = tpu.memref_slice %arg3[%add3A, %run_scoped3A, %dma_start3A_15] : memref<32x2x64xi32, #tpu.memory_space<hbm>> -> memref<1x1x64xi32, #tpu.memory_space<hbm>>
      %dma_start3A_17 = tpu.memref_squeeze %dma_start3A_16 : memref<1x1x64xi32, #tpu.memory_space<hbm>> -> memref<64xi32, #tpu.memory_space<hbm>>
      %dma_start3A_18 = arith.constant 0 : i32
      %dma_start3A_19 = tpu.memref_slice %arg3[%add3A, %run_scoped3A, %dma_start3A_18] : memref<32x2x64xi32, #tpu.memory_space<hbm>> -> memref<1x1x64xi32, #tpu.memory_space<hbm>>
      %dma_start3A_20 = tpu.memref_squeeze %dma_start3A_19 : memref<1x1x64xi32, #tpu.memory_space<hbm>> -> memref<64xi32, #tpu.memory_space<hbm>>
      tpu.enqueue_dma source(%dma_start3A_20 : memref<64xi32, #tpu.memory_space<hbm>>) target(%arg6 : memref<64xi32, #tpu.memory_space<vmem>>) target_semaphore(%run_scoped3A_14 : memref<!tpu.dma_semaphore, #tpu.memory_space<semaphore_mem>>)
      %dma_wait3A_21 = arith.constant 0 : i32
      %dma_wait3A_22 = tpu.memref_slice %arg3[%add3A, %run_scoped3A, %dma_wait3A_21] : memref<32x2x64xi32, #tpu.memory_space<hbm>> -> memref<1x1x64xi32, #tpu.memory_space<hbm>>
      %dma_wait3A_23 = tpu.memref_squeeze %dma_wait3A_22 : memref<1x1x64xi32, #tpu.memory_space<hbm>> -> memref<64xi32, #tpu.memory_space<hbm>>
      %dma_wait3A_24 = arith.constant 0 : i32
      %dma_wait3A_25 = tpu.memref_slice %arg3[%add3A, %run_scoped3A, %dma_wait3A_24] : memref<32x2x64xi32, #tpu.memory_space<hbm>> -> memref<1x1x64xi32, #tpu.memory_space<hbm>>
      %dma_wait3A_26 = tpu.memref_squeeze %dma_wait3A_25 : memref<1x1x64xi32, #tpu.memory_space<hbm>> -> memref<64xi32, #tpu.memory_space<hbm>>
      tpu.wait_dma2 semaphore(%run_scoped3A_14 : memref<!tpu.dma_semaphore, #tpu.memory_space<semaphore_mem>>) src(%dma_wait3A_26 : memref<64xi32, #tpu.memory_space<hbm>>) dst(%arg6 : memref<64xi32, #tpu.memory_space<vmem>>)
      tpu.yield
    }) : () -> ()
    %run_scoped3A_3 = arith.constant 1 : i32
    "tpu.region"() ({
      %run_scoped3A_14 = tpu.sem_alloc : memref<!tpu.dma_semaphore, #tpu.memory_space<semaphore_mem>>
      %dma_start3A_15 = arith.constant 0 : i32
      %dma_start3A_16 = tpu.memref_slice %arg3[%add3A, %run_scoped3A_3, %dma_start3A_15] : memref<32x2x64xi32, #tpu.memory_space<hbm>> -> memref<1x1x64xi32, #tpu.memory_space<hbm>>
      %dma_start3A_17 = tpu.memref_squeeze %dma_start3A_16 : memref<1x1x64xi32, #tpu.memory_space<hbm>> -> memref<64xi32, #tpu.memory_space<hbm>>
      %dma_start3A_18 = arith.constant 0 : i32
      %dma_start3A_19 = tpu.memref_slice %arg3[%add3A, %run_scoped3A_3, %dma_start3A_18] : memref<32x2x64xi32, #tpu.memory_space<hbm>> -> memref<1x1x64xi32, #tpu.memory_space<hbm>>
      %dma_start3A_20 = tpu.memref_squeeze %dma_start3A_19 : memref<1x1x64xi32, #tpu.memory_space<hbm>> -> memref<64xi32, #tpu.memory_space<hbm>>
      tpu.enqueue_dma source(%dma_start3A_20 : memref<64xi32, #tpu.memory_space<hbm>>) target(%arg7 : memref<64xi32, #tpu.memory_space<vmem>>) target_semaphore(%run_scoped3A_14 : memref<!tpu.dma_semaphore, #tpu.memory_space<semaphore_mem>>)
      %dma_wait3A_21 = arith.constant 0 : i32
      %dma_wait3A_22 = tpu.memref_slice %arg3[%add3A, %run_scoped3A_3, %dma_wait3A_21] : memref<32x2x64xi32, #tpu.memory_space<hbm>> -> memref<1x1x64xi32, #tpu.memory_space<hbm>>
      %dma_wait3A_23 = tpu.memref_squeeze %dma_wait3A_22 : memref<1x1x64xi32, #tpu.memory_space<hbm>> -> memref<64xi32, #tpu.memory_space<hbm>>
      %dma_wait3A_24 = arith.constant 0 : i32
      %dma_wait3A_25 = tpu.memref_slice %arg3[%add3A, %run_scoped3A_3, %dma_wait3A_24] : memref<32x2x64xi32, #tpu.memory_space<hbm>> -> memref<1x1x64xi32, #tpu.memory_space<hbm>>
      %dma_wait3A_26 = tpu.memref_squeeze %dma_wait3A_25 : memref<1x1x64xi32, #tpu.memory_space<hbm>> -> memref<64xi32, #tpu.memory_space<hbm>>
      tpu.wait_dma2 semaphore(%run_scoped3A_14 : memref<!tpu.dma_semaphore, #tpu.memory_space<semaphore_mem>>) src(%dma_wait3A_26 : memref<64xi32, #tpu.memory_space<hbm>>) dst(%arg7 : memref<64xi32, #tpu.memory_space<vmem>>)
      tpu.yield
    }) : () -> ()
    %dma_start3A = arith.constant 0 : i32
    %dma_start3A_4 = arith.constant 0 : i32
    %dma_start3A_5 = tpu.memref_slice %arg4[%dma_start3A, %dma_start3A_4] : memref<4096x1024xf32, #tpu.memory_space<hbm>> -> memref<4096x1024xf32, #tpu.memory_space<hbm>>
    tpu.enqueue_indirect_dma source(%arg5 : memref<64x1024xf32, #tpu.memory_space<vmem>>) target(%dma_start3A_5 : memref<4096x1024xf32, #tpu.memory_space<hbm>>) offsets(%arg6 : memref<64xi32, #tpu.memory_space<vmem>>) semaphore(%arg8 : memref<!tpu.dma_semaphore, #tpu.memory_space<semaphore_mem>>)
    %dma_wait3A = arith.constant 0 : i32
    %dma_wait3A_6 = arith.constant 0 : i32
    %dma_wait3A_7 = tpu.memref_slice %arg4[%dma_wait3A, %dma_wait3A_6] : memref<4096x1024xf32, #tpu.memory_space<hbm>> -> memref<4096x1024xf32, #tpu.memory_space<hbm>>
    tpu.wait_indirect_dma semaphore(%arg8 : memref<!tpu.dma_semaphore, #tpu.memory_space<semaphore_mem>>) src(%arg5 : memref<64x1024xf32, #tpu.memory_space<vmem>>) dst(%dma_wait3A_7 : memref<4096x1024xf32, #tpu.memory_space<hbm>>)
    %dma_start3A_8 = arith.constant 0 : i32
    %dma_start3A_9 = arith.constant 0 : i32
    %dma_start3A_10 = tpu.memref_slice %arg4[%dma_start3A_8, %dma_start3A_9] : memref<4096x1024xf32, #tpu.memory_space<hbm>> -> memref<4096x1024xf32, #tpu.memory_space<hbm>>
    tpu.enqueue_indirect_dma source(%arg5 : memref<64x1024xf32, #tpu.memory_space<vmem>>) target(%dma_start3A_10 : memref<4096x1024xf32, #tpu.memory_space<hbm>>) offsets(%arg7 : memref<64xi32, #tpu.memory_space<vmem>>) semaphore(%arg8 : memref<!tpu.dma_semaphore, #tpu.memory_space<semaphore_mem>>)
    %dma_wait3A_11 = arith.constant 0 : i32
    %dma_wait3A_12 = arith.constant 0 : i32
    %dma_wait3A_13 = tpu.memref_slice %arg4[%dma_wait3A_11, %dma_wait3A_12] : memref<4096x1024xf32, #tpu.memory_space<hbm>> -> memref<4096x1024xf32, #tpu.memory_space<hbm>>
    tpu.wait_indirect_dma semaphore(%arg8 : memref<!tpu.dma_semaphore, #tpu.memory_space<semaphore_mem>>) src(%arg5 : memref<64x1024xf32, #tpu.memory_space<vmem>>) dst(%dma_wait3A_13 : memref<4096x1024xf32, #tpu.memory_space<hbm>>)
    return
  }
}

#map = affine_map<(d0, d1) -> (0, 0)>
#map1 = affine_map<(d0, d1) -> (0, 0, 0)>
module attributes {stable_mosaic.version = 14 : i64} {
  func.func @_sc_gather_body(%arg0: i32, %arg1: i32, %arg2: memref<4096x1024xf32, #tpu.memory_space<hbm>>, %arg3: memref<32x2x64xi32, #tpu.memory_space<hbm>>, %arg4: memref<4096x1024xf32, #tpu.memory_space<hbm>>, %arg5: memref<64x1024xf32, #tpu.memory_space<vmem>>, %arg6: memref<64xi32, #tpu.memory_space<vmem>>, %arg7: memref<64xi32, #tpu.memory_space<vmem>>, %arg8: memref<!tpu.dma_semaphore, #tpu.memory_space<semaphore_mem>>) attributes {dimension_semantics = [#tpu.dimension_semantics<core_parallel>, #tpu.dimension_semantics<subcore_parallel>], iteration_bounds = array<i64: 2, 16>, scalar_prefetch = 0 : i64, scratch_operands = 4 : i64, tpu.core_type = #tpu.core_type<sc_vector_subcore>, window_params = [{transform_indices = #map}, {transform_indices = #map1}, {transform_indices = #map}]} {
    %mul3A = arith.constant 2 : i32
    %mul3A_0 = arith.muli %arg1, %mul3A : i32
    %add3A = arith.addi %mul3A_0, %arg0 : i32
    %mul3A_1 = arith.constant 64 : i32
    %mul3A_2 = arith.muli %add3A, %mul3A_1 : i32
    %run_scoped3A = arith.constant 0 : i32
    "tpu.region"() ({
      %run_scoped3A_16 = tpu.sem_alloc : memref<!tpu.dma_semaphore, #tpu.memory_space<semaphore_mem>>
      %dma_start3A_17 = arith.constant 0 : i32
      %dma_start3A_18 = tpu.memref_slice %arg3[%add3A, %run_scoped3A, %dma_start3A_17] : memref<32x2x64xi32, #tpu.memory_space<hbm>> -> memref<1x1x64xi32, #tpu.memory_space<hbm>>
      %dma_start3A_19 = tpu.memref_squeeze %dma_start3A_18 : memref<1x1x64xi32, #tpu.memory_space<hbm>> -> memref<64xi32, #tpu.memory_space<hbm>>
      %dma_start3A_20 = arith.constant 0 : i32
      %dma_start3A_21 = tpu.memref_slice %arg3[%add3A, %run_scoped3A, %dma_start3A_20] : memref<32x2x64xi32, #tpu.memory_space<hbm>> -> memref<1x1x64xi32, #tpu.memory_space<hbm>>
      %dma_start3A_22 = tpu.memref_squeeze %dma_start3A_21 : memref<1x1x64xi32, #tpu.memory_space<hbm>> -> memref<64xi32, #tpu.memory_space<hbm>>
      tpu.enqueue_dma source(%dma_start3A_22 : memref<64xi32, #tpu.memory_space<hbm>>) target(%arg6 : memref<64xi32, #tpu.memory_space<vmem>>) target_semaphore(%run_scoped3A_16 : memref<!tpu.dma_semaphore, #tpu.memory_space<semaphore_mem>>)
      %dma_wait3A_23 = arith.constant 0 : i32
      %dma_wait3A_24 = tpu.memref_slice %arg3[%add3A, %run_scoped3A, %dma_wait3A_23] : memref<32x2x64xi32, #tpu.memory_space<hbm>> -> memref<1x1x64xi32, #tpu.memory_space<hbm>>
      %dma_wait3A_25 = tpu.memref_squeeze %dma_wait3A_24 : memref<1x1x64xi32, #tpu.memory_space<hbm>> -> memref<64xi32, #tpu.memory_space<hbm>>
      %dma_wait3A_26 = arith.constant 0 : i32
      %dma_wait3A_27 = tpu.memref_slice %arg3[%add3A, %run_scoped3A, %dma_wait3A_26] : memref<32x2x64xi32, #tpu.memory_space<hbm>> -> memref<1x1x64xi32, #tpu.memory_space<hbm>>
      %dma_wait3A_28 = tpu.memref_squeeze %dma_wait3A_27 : memref<1x1x64xi32, #tpu.memory_space<hbm>> -> memref<64xi32, #tpu.memory_space<hbm>>
      tpu.wait_dma2 semaphore(%run_scoped3A_16 : memref<!tpu.dma_semaphore, #tpu.memory_space<semaphore_mem>>) src(%dma_wait3A_28 : memref<64xi32, #tpu.memory_space<hbm>>) dst(%arg6 : memref<64xi32, #tpu.memory_space<vmem>>)
      tpu.yield
    }) : () -> ()
    %run_scoped3A_3 = arith.constant 1 : i32
    "tpu.region"() ({
      %run_scoped3A_16 = tpu.sem_alloc : memref<!tpu.dma_semaphore, #tpu.memory_space<semaphore_mem>>
      %dma_start3A_17 = arith.constant 0 : i32
      %dma_start3A_18 = tpu.memref_slice %arg3[%add3A, %run_scoped3A_3, %dma_start3A_17] : memref<32x2x64xi32, #tpu.memory_space<hbm>> -> memref<1x1x64xi32, #tpu.memory_space<hbm>>
      %dma_start3A_19 = tpu.memref_squeeze %dma_start3A_18 : memref<1x1x64xi32, #tpu.memory_space<hbm>> -> memref<64xi32, #tpu.memory_space<hbm>>
      %dma_start3A_20 = arith.constant 0 : i32
      %dma_start3A_21 = tpu.memref_slice %arg3[%add3A, %run_scoped3A_3, %dma_start3A_20] : memref<32x2x64xi32, #tpu.memory_space<hbm>> -> memref<1x1x64xi32, #tpu.memory_space<hbm>>
      %dma_start3A_22 = tpu.memref_squeeze %dma_start3A_21 : memref<1x1x64xi32, #tpu.memory_space<hbm>> -> memref<64xi32, #tpu.memory_space<hbm>>
      tpu.enqueue_dma source(%dma_start3A_22 : memref<64xi32, #tpu.memory_space<hbm>>) target(%arg7 : memref<64xi32, #tpu.memory_space<vmem>>) target_semaphore(%run_scoped3A_16 : memref<!tpu.dma_semaphore, #tpu.memory_space<semaphore_mem>>)
      %dma_wait3A_23 = arith.constant 0 : i32
      %dma_wait3A_24 = tpu.memref_slice %arg3[%add3A, %run_scoped3A_3, %dma_wait3A_23] : memref<32x2x64xi32, #tpu.memory_space<hbm>> -> memref<1x1x64xi32, #tpu.memory_space<hbm>>
      %dma_wait3A_25 = tpu.memref_squeeze %dma_wait3A_24 : memref<1x1x64xi32, #tpu.memory_space<hbm>> -> memref<64xi32, #tpu.memory_space<hbm>>
      %dma_wait3A_26 = arith.constant 0 : i32
      %dma_wait3A_27 = tpu.memref_slice %arg3[%add3A, %run_scoped3A_3, %dma_wait3A_26] : memref<32x2x64xi32, #tpu.memory_space<hbm>> -> memref<1x1x64xi32, #tpu.memory_space<hbm>>
      %dma_wait3A_28 = tpu.memref_squeeze %dma_wait3A_27 : memref<1x1x64xi32, #tpu.memory_space<hbm>> -> memref<64xi32, #tpu.memory_space<hbm>>
      tpu.wait_dma2 semaphore(%run_scoped3A_16 : memref<!tpu.dma_semaphore, #tpu.memory_space<semaphore_mem>>) src(%dma_wait3A_28 : memref<64xi32, #tpu.memory_space<hbm>>) dst(%arg7 : memref<64xi32, #tpu.memory_space<vmem>>)
      tpu.yield
    }) : () -> ()
    %dma_start3A = arith.constant 0 : i32
    %dma_start3A_4 = arith.constant 0 : i32
    %dma_start3A_5 = tpu.memref_slice %arg2[%dma_start3A, %dma_start3A_4] : memref<4096x1024xf32, #tpu.memory_space<hbm>> -> memref<4096x1024xf32, #tpu.memory_space<hbm>>
    tpu.enqueue_indirect_dma source(%dma_start3A_5 : memref<4096x1024xf32, #tpu.memory_space<hbm>>) target(%arg5 : memref<64x1024xf32, #tpu.memory_space<vmem>>) offsets(%arg6 : memref<64xi32, #tpu.memory_space<vmem>>) semaphore(%arg8 : memref<!tpu.dma_semaphore, #tpu.memory_space<semaphore_mem>>)
    %dma_wait3A = arith.constant 0 : i32
    %dma_wait3A_6 = arith.constant 0 : i32
    %dma_wait3A_7 = tpu.memref_slice %arg2[%dma_wait3A, %dma_wait3A_6] : memref<4096x1024xf32, #tpu.memory_space<hbm>> -> memref<4096x1024xf32, #tpu.memory_space<hbm>>
    tpu.wait_indirect_dma semaphore(%arg8 : memref<!tpu.dma_semaphore, #tpu.memory_space<semaphore_mem>>) src(%dma_wait3A_7 : memref<4096x1024xf32, #tpu.memory_space<hbm>>) dst(%arg5 : memref<64x1024xf32, #tpu.memory_space<vmem>>)
    "tpu.region"() ({
      %run_scoped3A_16 = tpu.sem_alloc : memref<!tpu.dma_semaphore, #tpu.memory_space<semaphore_mem>>
      %dma_start3A_17 = arith.constant 0 : i32
      %dma_start3A_18 = tpu.memref_slice %arg4[%mul3A_2, %dma_start3A_17] : memref<4096x1024xf32, #tpu.memory_space<hbm>> -> memref<64x1024xf32, #tpu.memory_space<hbm>>
      %dma_start3A_19 = arith.constant 0 : i32
      %dma_start3A_20 = tpu.memref_slice %arg4[%mul3A_2, %dma_start3A_19] : memref<4096x1024xf32, #tpu.memory_space<hbm>> -> memref<64x1024xf32, #tpu.memory_space<hbm>>
      tpu.enqueue_dma source(%arg5 : memref<64x1024xf32, #tpu.memory_space<vmem>>) target(%dma_start3A_20 : memref<64x1024xf32, #tpu.memory_space<hbm>>) target_semaphore(%run_scoped3A_16 : memref<!tpu.dma_semaphore, #tpu.memory_space<semaphore_mem>>)
      %dma_wait3A_21 = arith.constant 0 : i32
      %dma_wait3A_22 = tpu.memref_slice %arg4[%mul3A_2, %dma_wait3A_21] : memref<4096x1024xf32, #tpu.memory_space<hbm>> -> memref<64x1024xf32, #tpu.memory_space<hbm>>
      %dma_wait3A_23 = arith.constant 0 : i32
      %dma_wait3A_24 = tpu.memref_slice %arg4[%mul3A_2, %dma_wait3A_23] : memref<4096x1024xf32, #tpu.memory_space<hbm>> -> memref<64x1024xf32, #tpu.memory_space<hbm>>
      tpu.wait_dma2 semaphore(%run_scoped3A_16 : memref<!tpu.dma_semaphore, #tpu.memory_space<semaphore_mem>>) src(%arg5 : memref<64x1024xf32, #tpu.memory_space<vmem>>) dst(%dma_wait3A_24 : memref<64x1024xf32, #tpu.memory_space<hbm>>)
      tpu.yield
    }) : () -> ()
    %dma_start3A_8 = arith.constant 0 : i32
    %dma_start3A_9 = arith.constant 0 : i32
    %dma_start3A_10 = tpu.memref_slice %arg2[%dma_start3A_8, %dma_start3A_9] : memref<4096x1024xf32, #tpu.memory_space<hbm>> -> memref<4096x1024xf32, #tpu.memory_space<hbm>>
    tpu.enqueue_indirect_dma source(%dma_start3A_10 : memref<4096x1024xf32, #tpu.memory_space<hbm>>) target(%arg5 : memref<64x1024xf32, #tpu.memory_space<vmem>>) offsets(%arg7 : memref<64xi32, #tpu.memory_space<vmem>>) semaphore(%arg8 : memref<!tpu.dma_semaphore, #tpu.memory_space<semaphore_mem>>)
    %dma_wait3A_11 = arith.constant 0 : i32
    %dma_wait3A_12 = arith.constant 0 : i32
    %dma_wait3A_13 = tpu.memref_slice %arg2[%dma_wait3A_11, %dma_wait3A_12] : memref<4096x1024xf32, #tpu.memory_space<hbm>> -> memref<4096x1024xf32, #tpu.memory_space<hbm>>
    tpu.wait_indirect_dma semaphore(%arg8 : memref<!tpu.dma_semaphore, #tpu.memory_space<semaphore_mem>>) src(%dma_wait3A_13 : memref<4096x1024xf32, #tpu.memory_space<hbm>>) dst(%arg5 : memref<64x1024xf32, #tpu.memory_space<vmem>>)
    %add3A_14 = arith.constant 2048 : i32
    %add3A_15 = arith.addi %add3A_14, %mul3A_2 : i32
    "tpu.region"() ({
      %run_scoped3A_16 = tpu.sem_alloc : memref<!tpu.dma_semaphore, #tpu.memory_space<semaphore_mem>>
      %dma_start3A_17 = arith.constant 0 : i32
      %dma_start3A_18 = tpu.memref_slice %arg4[%add3A_15, %dma_start3A_17] : memref<4096x1024xf32, #tpu.memory_space<hbm>> -> memref<64x1024xf32, #tpu.memory_space<hbm>>
      %dma_start3A_19 = arith.constant 0 : i32
      %dma_start3A_20 = tpu.memref_slice %arg4[%add3A_15, %dma_start3A_19] : memref<4096x1024xf32, #tpu.memory_space<hbm>> -> memref<64x1024xf32, #tpu.memory_space<hbm>>
      tpu.enqueue_dma source(%arg5 : memref<64x1024xf32, #tpu.memory_space<vmem>>) target(%dma_start3A_20 : memref<64x1024xf32, #tpu.memory_space<hbm>>) target_semaphore(%run_scoped3A_16 : memref<!tpu.dma_semaphore, #tpu.memory_space<semaphore_mem>>)
      %dma_wait3A_21 = arith.constant 0 : i32
      %dma_wait3A_22 = tpu.memref_slice %arg4[%add3A_15, %dma_wait3A_21] : memref<4096x1024xf32, #tpu.memory_space<hbm>> -> memref<64x1024xf32, #tpu.memory_space<hbm>>
      %dma_wait3A_23 = arith.constant 0 : i32
      %dma_wait3A_24 = tpu.memref_slice %arg4[%add3A_15, %dma_wait3A_23] : memref<4096x1024xf32, #tpu.memory_space<hbm>> -> memref<64x1024xf32, #tpu.memory_space<hbm>>
      tpu.wait_dma2 semaphore(%run_scoped3A_16 : memref<!tpu.dma_semaphore, #tpu.memory_space<semaphore_mem>>) src(%arg5 : memref<64x1024xf32, #tpu.memory_space<vmem>>) dst(%dma_wait3A_24 : memref<64x1024xf32, #tpu.memory_space<hbm>>)
      tpu.yield
    }) : () -> ()
    return
  }
}

module attributes {stable_mosaic.version = 14 : i64} {
  func.func @_group_body(%arg0: i32, %arg1: memref<8x32xi32, #tpu.memory_space<smem>>, %arg2: memref<256x1024xf32, #tpu.memory_space<vmem>>, %arg3: memref<1x2048x1024xf32, #tpu.memory_space<vmem>>, %arg4: memref<1x1024x1024xf32, #tpu.memory_space<vmem>>, %arg5: memref<256x1024xf32, #tpu.memory_space<vmem>>) attributes {dimension_semantics = [#tpu.dimension_semantics<arbitrary>], iteration_bounds = array<i64: 23>, scalar_prefetch = 1 : i64, scratch_operands = 0 : i64, tpu.core_type = #tpu.core_type<tc>, window_params = [{transform_indices = @transform_0, window_bounds = array<i64: 256, 1024>}, {transform_indices = @transform_1, window_bounds = array<i64: 1, 2048, 1024>}, {transform_indices = @transform_2, window_bounds = array<i64: 1, 1024, 1024>}, {transform_indices = @transform_3, window_bounds = array<i64: 256, 1024>}]} {
    %get3A = arith.constant 0 : index
    %get3A_0 = arith.index_cast %arg0 : i32 to index
    %get3A_1 = memref.load %arg1[%get3A, %get3A_0] : memref<8x32xi32, #tpu.memory_space<smem>>
    %get3A_2 = arith.constant 2 : index
    %get3A_3 = arith.index_cast %arg0 : i32 to index
    %get3A_4 = memref.load %arg1[%get3A_2, %get3A_3] : memref<8x32xi32, #tpu.memory_space<smem>>
    %get3A_5 = arith.constant 3 : index
    %get3A_6 = arith.index_cast %arg0 : i32 to index
    %get3A_7 = memref.load %arg1[%get3A_5, %get3A_6] : memref<8x32xi32, #tpu.memory_space<smem>>
    %get3A_8 = arith.constant 0 : index
    %get3A_9 = arith.constant 0 : index
    %get3A_10 = vector.load %arg2[%get3A_8, %get3A_9] : memref<256x1024xf32, #tpu.memory_space<vmem>>, vector<256x1024xf32>
    %get3A_11 = arith.constant 0 : index
    %get3A_12 = arith.constant 0 : index
    %get3A_13 = arith.constant 0 : index
    %get3A_14 = vector.load %arg3[%get3A_11, %get3A_12, %get3A_13] : memref<1x2048x1024xf32, #tpu.memory_space<vmem>>, vector<1x2048x1024xf32>
    %get3A_15 = vector.shape_cast %get3A_14 : vector<1x2048x1024xf32> to vector<2048x1024xf32>
    %dot_general3A = arith.constant dense<0.000000e+00> : vector<256x2048xf32>
    %dot_general3A_16 = tpu.matmul %get3A_10, %get3A_15, %dot_general3A {dimension_numbers = #tpu.dot_dimension_numbers<[1], [1], [0], [0], [0, 0, 1, 0], [], []>, transpose_lhs_hint = false} : vector<256x1024xf32>, vector<2048x1024xf32>, vector<256x2048xf32> -> vector<256x2048xf32>
    %slice3A = vector.extract_strided_slice %dot_general3A_16 {offsets = [0, 0], sizes = [256, 1024], strides = [1, 1]} : vector<256x2048xf32> to vector<256x1024xf32>
    %slice3A_17 = vector.extract_strided_slice %dot_general3A_16 {offsets = [0, 1024], sizes = [256, 1024], strides = [1, 1]} : vector<256x2048xf32> to vector<256x1024xf32>
    %neg3A = arith.constant 0.000000e+00 : f32
    %neg3A_18 = vector.broadcast %neg3A : f32 to vector<256x1024xf32>
    %neg3A_19 = arith.subf %neg3A_18, %slice3A : vector<256x1024xf32>
    %exp3A = math.exp %neg3A_19 : vector<256x1024xf32>
    %add3A = arith.constant 1.000000e+00 : f32
    %add3A_20 = vector.broadcast %add3A : f32 to vector<256x1024xf32>
    %add3A_21 = arith.addf %add3A_20, %exp3A : vector<256x1024xf32>
    %div3A = arith.divf %slice3A, %add3A_21 : vector<256x1024xf32>
    %mul3A = arith.mulf %div3A, %slice3A_17 : vector<256x1024xf32>
    %get3A_22 = arith.constant 0 : index
    %get3A_23 = arith.constant 0 : index
    %get3A_24 = arith.constant 0 : index
    %get3A_25 = vector.load %arg4[%get3A_22, %get3A_23, %get3A_24] : memref<1x1024x1024xf32, #tpu.memory_space<vmem>>, vector<1x1024x1024xf32>
    %get3A_26 = vector.shape_cast %get3A_25 : vector<1x1024x1024xf32> to vector<1024x1024xf32>
    %dot_general3A_27 = arith.constant dense<0.000000e+00> : vector<256x1024xf32>
    %dot_general3A_28 = tpu.matmul %mul3A, %get3A_26, %dot_general3A_27 {dimension_numbers = #tpu.dot_dimension_numbers<[1], [1], [0], [0], [0, 0, 1, 0], [], []>, transpose_lhs_hint = false} : vector<256x1024xf32>, vector<1024x1024xf32>, vector<256x1024xf32> -> vector<256x1024xf32>
    %mul3A_29 = arith.constant 256 : i32
    %mul3A_30 = arith.muli %get3A_1, %mul3A_29 : i32
    %iota3A = tpu.iota {dimensions = array<i32: 0>} : vector<256x1xi32>
    %add3A_31 = vector.broadcast %mul3A_30 : i32 to vector<256x1xi32>
    %add3A_32 = arith.addi %add3A_31, %iota3A : vector<256x1xi32>
    %ge3A = vector.broadcast %get3A_4 : i32 to vector<256x1xi32>
    %ge3A_33 = arith.cmpi sge, %add3A_32, %ge3A : vector<256x1xi32>
    %lt3A = vector.broadcast %get3A_7 : i32 to vector<256x1xi32>
    %lt3A_34 = arith.cmpi slt, %add3A_32, %lt3A : vector<256x1xi32>
    %and3A = arith.andi %ge3A_33, %lt3A_34 : vector<256x1xi1>
    %convert_element_type3A = arith.extui %and3A : vector<256x1xi1> to vector<256x1xi32>
    %convert_element_type3A_35 = arith.sitofp %convert_element_type3A : vector<256x1xi32> to vector<256x1xf32>
    %mul3A_36 = vector.broadcast %convert_element_type3A_35 : vector<256x1xf32> to vector<256x1024xf32>
    %mul3A_37 = arith.mulf %dot_general3A_28, %mul3A_36 : vector<256x1024xf32>
    %sub3A = arith.constant 1 : i32
    %sub3A_38 = arith.subi %arg0, %sub3A : i32
    %max3A = arith.constant 0 : i32
    %max3A_39 = arith.maxsi %sub3A_38, %max3A : i32
    %get3A_40 = arith.constant 0 : index
    %get3A_41 = arith.index_cast %max3A_39 : i32 to index
    %get3A_42 = memref.load %arg1[%get3A_40, %get3A_41] : memref<8x32xi32, #tpu.memory_space<smem>>
    %eq3A = arith.constant 0 : i32
    %eq3A_43 = arith.cmpi eq, %arg0, %eq3A : i32
    %ne3A = arith.cmpi ne, %get3A_1, %get3A_42 : i32
    %or3A = arith.ori %eq3A_43, %ne3A : i1
    %convert_element_type3A_44 = arith.extui %or3A : i1 to i32
    %cond3A = arith.constant 0 : i32
    %cond3A_45 = arith.cmpi ne, %convert_element_type3A_44, %cond3A : i32
    scf.if %cond3A_45 {
      %swap3A = arith.constant 0 : index
      %swap3A_50 = arith.constant 0 : index
      %swap3A_51 = vector.load %arg5[%swap3A, %swap3A_50] : memref<256x1024xf32, #tpu.memory_space<vmem>>, vector<256x1024xf32>
      tpu.vector_store %arg5[%swap3A, %swap3A_50], %mul3A_37 {strides = array<i32>} : memref<256x1024xf32, #tpu.memory_space<vmem>>, vector<256x1024xf32>,
    } else {
    }
    %not3A = arith.constant true
    %not3A_46 = arith.xori %or3A, %not3A : i1
    %convert_element_type3A_47 = arith.extui %not3A_46 : i1 to i32
    %cond3A_48 = arith.constant 0 : i32
    %cond3A_49 = arith.cmpi ne, %convert_element_type3A_47, %cond3A_48 : i32
    scf.if %cond3A_49 {
      %get3A_50 = arith.constant 0 : index
      %get3A_51 = arith.constant 0 : index
      %get3A_52 = vector.load %arg5[%get3A_50, %get3A_51] : memref<256x1024xf32, #tpu.memory_space<vmem>>, vector<256x1024xf32>
      %add3A_53 = arith.addf %get3A_52, %mul3A_37 : vector<256x1024xf32>
      %swap3A = arith.constant 0 : index
      %swap3A_54 = arith.constant 0 : index
      %swap3A_55 = vector.load %arg5[%swap3A, %swap3A_54] : memref<256x1024xf32, #tpu.memory_space<vmem>>, vector<256x1024xf32>
      tpu.vector_store %arg5[%swap3A, %swap3A_54], %add3A_53 {strides = array<i32>} : memref<256x1024xf32, #tpu.memory_space<vmem>>, vector<256x1024xf32>,
    } else {
    }
    return
  }
  func.func @transform_0(%arg0: i32, %arg1: memref<8x32xi32, #tpu.memory_space<smem>>) -> (i32, i32) {
    %get3A = arith.constant 0 : index
    %get3A_0 = arith.index_cast %arg0 : i32 to index
    %get3A_1 = memref.load %arg1[%get3A, %get3A_0] : memref<8x32xi32, #tpu.memory_space<smem>>
    %c0_i32 = arith.constant 0 : i32
    %c0_i32_2 = arith.constant 0 : i32
    return %get3A_1, %c0_i32 : i32, i32
  }
  func.func @transform_1(%arg0: i32, %arg1: memref<8x32xi32, #tpu.memory_space<smem>>) -> (i32, i32, i32) {
    %get3A = arith.constant 1 : index
    %get3A_0 = arith.index_cast %arg0 : i32 to index
    %get3A_1 = memref.load %arg1[%get3A, %get3A_0] : memref<8x32xi32, #tpu.memory_space<smem>>
    %c0_i32 = arith.constant 0 : i32
    %c0_i32_2 = arith.constant 0 : i32
    %c0_i32_3 = arith.constant 0 : i32
    return %get3A_1, %c0_i32, %c0_i32_2 : i32, i32, i32
  }
  func.func @transform_2(%arg0: i32, %arg1: memref<8x32xi32, #tpu.memory_space<smem>>) -> (i32, i32, i32) {
    %get3A = arith.constant 1 : index
    %get3A_0 = arith.index_cast %arg0 : i32 to index
    %get3A_1 = memref.load %arg1[%get3A, %get3A_0] : memref<8x32xi32, #tpu.memory_space<smem>>
    %c0_i32 = arith.constant 0 : i32
    %c0_i32_2 = arith.constant 0 : i32
    %c0_i32_3 = arith.constant 0 : i32
    return %get3A_1, %c0_i32, %c0_i32_2 : i32, i32, i32
  }
  func.func @transform_3(%arg0: i32, %arg1: memref<8x32xi32, #tpu.memory_space<smem>>) -> (i32, i32) {
    %get3A = arith.constant 0 : index
    %get3A_0 = arith.index_cast %arg0 : i32 to index
    %get3A_1 = memref.load %arg1[%get3A, %get3A_0] : memref<8x32xi32, #tpu.memory_space<smem>>
    %c0_i32 = arith.constant 0 : i32
    %c0_i32_2 = arith.constant 0 : i32
    return %get3A_1, %c0_i32 : i32, i32
  }
}

module attributes {stable_mosaic.version = 14 : i64} {
  func.func @_shared_body(%arg0: i32, %arg1: memref<256x1024xf32, #tpu.memory_space<vmem>>, %arg2: memref<256x1024xf32, #tpu.memory_space<vmem>>, %arg3: memref<4096x1024xf32, #tpu.memory_space<vmem>>, %arg4: memref<1024x2048xf32, #tpu.memory_space<vmem>>, %arg5: memref<256x1024xf32, #tpu.memory_space<vmem>>) attributes {dimension_semantics = [#tpu.dimension_semantics<arbitrary>], iteration_bounds = array<i64: 8>, scalar_prefetch = 0 : i64, scratch_operands = 0 : i64, tpu.core_type = #tpu.core_type<tc>, window_params = [{transform_indices = @transform_0, window_bounds = array<i64: 256, 1024>}, {transform_indices = @transform_1, window_bounds = array<i64: 256, 1024>}, {pipeline_mode = #tpu.pipeline_mode<synchronous>, transform_indices = @transform_2, window_bounds = array<i64: 4096, 1024>}, {pipeline_mode = #tpu.pipeline_mode<synchronous>, transform_indices = @transform_3, window_bounds = array<i64: 1024, 2048>}, {transform_indices = @transform_4, window_bounds = array<i64: 256, 1024>}]} {
    %get3A = arith.constant 0 : index
    %get3A_0 = arith.constant 0 : index
    %get3A_1 = vector.load %arg2[%get3A, %get3A_0] : memref<256x1024xf32, #tpu.memory_space<vmem>>, vector<256x1024xf32>
    %get3A_2 = arith.constant 0 : index
    %get3A_3 = arith.constant 0 : index
    %get3A_4 = vector.load %arg3[%get3A_2, %get3A_3] : memref<4096x1024xf32, #tpu.memory_space<vmem>>, vector<4096x1024xf32>
    %dot_general3A = arith.constant dense<0.000000e+00> : vector<256x4096xf32>
    %dot_general3A_5 = tpu.matmul %get3A_1, %get3A_4, %dot_general3A {dimension_numbers = #tpu.dot_dimension_numbers<[1], [1], [0], [0], [0, 0, 1, 0], [], []>, transpose_lhs_hint = false} : vector<256x1024xf32>, vector<4096x1024xf32>, vector<256x4096xf32> -> vector<256x4096xf32>
    %slice3A = vector.extract_strided_slice %dot_general3A_5 {offsets = [0, 0], sizes = [256, 2048], strides = [1, 1]} : vector<256x4096xf32> to vector<256x2048xf32>
    %slice3A_6 = vector.extract_strided_slice %dot_general3A_5 {offsets = [0, 2048], sizes = [256, 2048], strides = [1, 1]} : vector<256x4096xf32> to vector<256x2048xf32>
    %neg3A = arith.constant 0.000000e+00 : f32
    %neg3A_7 = vector.broadcast %neg3A : f32 to vector<256x2048xf32>
    %neg3A_8 = arith.subf %neg3A_7, %slice3A : vector<256x2048xf32>
    %exp3A = math.exp %neg3A_8 : vector<256x2048xf32>
    %add3A = arith.constant 1.000000e+00 : f32
    %add3A_9 = vector.broadcast %add3A : f32 to vector<256x2048xf32>
    %add3A_10 = arith.addf %add3A_9, %exp3A : vector<256x2048xf32>
    %div3A = arith.divf %slice3A, %add3A_10 : vector<256x2048xf32>
    %mul3A = arith.mulf %div3A, %slice3A_6 : vector<256x2048xf32>
    %get3A_11 = arith.constant 0 : index
    %get3A_12 = arith.constant 0 : index
    %get3A_13 = vector.load %arg4[%get3A_11, %get3A_12] : memref<1024x2048xf32, #tpu.memory_space<vmem>>, vector<1024x2048xf32>
    %dot_general3A_14 = arith.constant dense<0.000000e+00> : vector<256x1024xf32>
    %dot_general3A_15 = tpu.matmul %mul3A, %get3A_13, %dot_general3A_14 {dimension_numbers = #tpu.dot_dimension_numbers<[1], [1], [0], [0], [0, 0, 1, 0], [], []>, transpose_lhs_hint = false} : vector<256x2048xf32>, vector<1024x2048xf32>, vector<256x1024xf32> -> vector<256x1024xf32>
    %get3A_16 = arith.constant 0 : index
    %get3A_17 = arith.constant 0 : index
    %get3A_18 = vector.load %arg1[%get3A_16, %get3A_17] : memref<256x1024xf32, #tpu.memory_space<vmem>>, vector<256x1024xf32>
    %add3A_19 = arith.addf %get3A_18, %dot_general3A_15 : vector<256x1024xf32>
    %swap3A = arith.constant 0 : index
    %swap3A_20 = arith.constant 0 : index
    %swap3A_21 = vector.load %arg5[%swap3A, %swap3A_20] : memref<256x1024xf32, #tpu.memory_space<vmem>>, vector<256x1024xf32>
    tpu.vector_store %arg5[%swap3A, %swap3A_20], %add3A_19 {strides = array<i32>} : memref<256x1024xf32, #tpu.memory_space<vmem>>, vector<256x1024xf32>,
    return
  }
  func.func @transform_0(%arg0: i32) -> (i32, i32) {
    %c0_i32 = arith.constant 0 : i32
    %c0_i32_0 = arith.constant 0 : i32
    return %arg0, %c0_i32 : i32, i32
  }
  func.func @transform_1(%arg0: i32) -> (i32, i32) {
    %c0_i32 = arith.constant 0 : i32
    %c0_i32_0 = arith.constant 0 : i32
    return %arg0, %c0_i32 : i32, i32
  }
  func.func @transform_2(%arg0: i32) -> (i32, i32) {
    %c0_i32 = arith.constant 0 : i32
    %c0_i32_0 = arith.constant 0 : i32
    %c0_i32_1 = arith.constant 0 : i32
    return %c0_i32, %c0_i32_0 : i32, i32
  }
  func.func @transform_3(%arg0: i32) -> (i32, i32) {
    %c0_i32 = arith.constant 0 : i32
    %c0_i32_0 = arith.constant 0 : i32
    %c0_i32_1 = arith.constant 0 : i32
    return %c0_i32, %c0_i32_0 : i32, i32
  }
  func.func @transform_4(%arg0: i32) -> (i32, i32) {
    %c0_i32 = arith.constant 0 : i32
    %c0_i32_0 = arith.constant 0 : i32
    return %arg0, %c0_i32 : i32, i32
  }
}

module attributes {stable_mosaic.version = 14 : i64} {
  func.func @_router_body(%arg0: memref<2048x1024xf32, #tpu.memory_space<vmem>>, %arg1: memref<1x1024xf32, #tpu.memory_space<vmem>>, %arg2: memref<8x1024xf32, #tpu.memory_space<vmem>>, %arg3: memref<2048x1024xf32, #tpu.memory_space<vmem>>, %arg4: memref<2048x1xf32, #tpu.memory_space<vmem>>, %arg5: memref<2048x1xf32, #tpu.memory_space<vmem>>, %arg6: memref<4096x1xi32, #tpu.memory_space<vmem>>, %arg7: memref<8x32xi32, #tpu.memory_space<vmem>>) attributes {dimension_semantics = [], scalar_prefetch = 0 : i64, scratch_operands = 0 : i64, tpu.core_type = #tpu.core_type<tc>} {
    %get3A = arith.constant 0 : index
    %get3A_0 = arith.constant 0 : index
    %get3A_1 = vector.load %arg0[%get3A, %get3A_0] : memref<2048x1024xf32, #tpu.memory_space<vmem>>, vector<2048x1024xf32>
    %mul3A = arith.mulf %get3A_1, %get3A_1 : vector<2048x1024xf32>
    %reduce_sum3A = arith.constant dense<0.000000e+00> : vector<2048xf32>
    %reduce_sum3A_2 = vector.multi_reduction <add>, %mul3A, %reduce_sum3A [1] : vector<2048x1024xf32> to vector<2048xf32>
    %broadcast_in_dim3A = vector.shape_cast %reduce_sum3A_2 : vector<2048xf32> to vector<2048x1xf32>
    %div3A = arith.constant 1.024000e+03 : f32
    %div3A_3 = vector.broadcast %div3A : f32 to vector<2048x1xf32>
    %div3A_4 = arith.divf %broadcast_in_dim3A, %div3A_3 : vector<2048x1xf32>
    %add3A = arith.constant 9.99999997E-7 : f32
    %add3A_5 = vector.broadcast %add3A : f32 to vector<2048x1xf32>
    %add3A_6 = arith.addf %div3A_4, %add3A_5 : vector<2048x1xf32>
    %rsqrt3A = math.rsqrt %add3A_6 : vector<2048x1xf32>
    %mul3A_7 = vector.broadcast %rsqrt3A : vector<2048x1xf32> to vector<2048x1024xf32>
    %mul3A_8 = arith.mulf %get3A_1, %mul3A_7 : vector<2048x1024xf32>
    %get3A_9 = arith.constant 0 : index
    %get3A_10 = arith.constant 0 : index
    %get3A_11 = vector.load %arg1[%get3A_9, %get3A_10] : memref<1x1024xf32, #tpu.memory_space<vmem>>, vector<1x1024xf32>
    %mul3A_12 = vector.broadcast %get3A_11 : vector<1x1024xf32> to vector<2048x1024xf32>
    %mul3A_13 = arith.mulf %mul3A_8, %mul3A_12 : vector<2048x1024xf32>
    %swap3A = arith.constant 0 : index
    %swap3A_14 = arith.constant 0 : index
    %swap3A_15 = vector.load %arg3[%swap3A, %swap3A_14] : memref<2048x1024xf32, #tpu.memory_space<vmem>>, vector<2048x1024xf32>
    tpu.vector_store %arg3[%swap3A, %swap3A_14], %mul3A_13 {strides = array<i32>} : memref<2048x1024xf32, #tpu.memory_space<vmem>>, vector<2048x1024xf32>,
    %get3A_16 = arith.constant 0 : index
    %get3A_17 = arith.constant 0 : index
    %get3A_18 = vector.load %arg2[%get3A_16, %get3A_17] : memref<8x1024xf32, #tpu.memory_space<vmem>>, vector<8x1024xf32>
    %dot_general3A = arith.constant dense<0.000000e+00> : vector<2048x8xf32>
    %dot_general3A_19 = tpu.matmul %mul3A_13, %get3A_18, %dot_general3A {dimension_numbers = #tpu.dot_dimension_numbers<[1], [1], [0], [0], [0, 0, 1, 0], [], []>, transpose_lhs_hint = false} : vector<2048x1024xf32>, vector<8x1024xf32>, vector<2048x8xf32> -> vector<2048x8xf32>
    %reduce_max3A = arith.constant dense<0xFF800000> : vector<2048xf32>
    %reduce_max3A_20 = vector.multi_reduction <maximumf>, %dot_general3A_19, %reduce_max3A [1] : vector<2048x8xf32> to vector<2048xf32>
    %broadcast_in_dim3A_21 = vector.shape_cast %reduce_max3A_20 : vector<2048xf32> to vector<2048x1xf32>
    %sub3A = vector.broadcast %broadcast_in_dim3A_21 : vector<2048x1xf32> to vector<2048x8xf32>
    %sub3A_22 = arith.subf %dot_general3A_19, %sub3A : vector<2048x8xf32>
    %exp3A = math.exp %sub3A_22 : vector<2048x8xf32>
    %reduce_sum3A_23 = arith.constant dense<0.000000e+00> : vector<2048xf32>
    %reduce_sum3A_24 = vector.multi_reduction <add>, %exp3A, %reduce_sum3A_23 [1] : vector<2048x8xf32> to vector<2048xf32>
    %broadcast_in_dim3A_25 = vector.shape_cast %reduce_sum3A_24 : vector<2048xf32> to vector<2048x1xf32>
    %div3A_26 = vector.broadcast %broadcast_in_dim3A_25 : vector<2048x1xf32> to vector<2048x8xf32>
    %div3A_27 = arith.divf %exp3A, %div3A_26 : vector<2048x8xf32>
    %iota3A = tpu.iota {dimensions = array<i32: 1>} : vector<2048x8xi32>
    %reduce_max3A_28 = arith.constant dense<0xFF800000> : vector<2048xf32>
    %reduce_max3A_29 = vector.multi_reduction <maximumf>, %div3A_27, %reduce_max3A_28 [1] : vector<2048x8xf32> to vector<2048xf32>
    %broadcast_in_dim3A_30 = vector.shape_cast %reduce_max3A_29 : vector<2048xf32> to vector<2048x1xf32>
    %eq3A = vector.broadcast %broadcast_in_dim3A_30 : vector<2048x1xf32> to vector<2048x8xf32>
    %eq3A_31 = arith.cmpf oeq, %div3A_27, %eq3A : vector<2048x8xf32>
    %jit3A = arith.constant 8 : i32
    %broadcast_in_dim3A_32 = vector.broadcast %jit3A : i32 to vector<2048x8xi32>
    %select_n3A = arith.select %eq3A_31, %iota3A, %broadcast_in_dim3A_32 : vector<2048x8xi1>, vector<2048x8xi32>
    %reduce_min3A = arith.constant dense<2147483647> : vector<2048xi32>
    %reduce_min3A_33 = vector.multi_reduction <minsi>, %select_n3A, %reduce_min3A [1] : vector<2048x8xi32> to vector<2048xi32>
    %broadcast_in_dim3A_34 = vector.shape_cast %reduce_min3A_33 : vector<2048xi32> to vector<2048x1xi32>
    %eq3A_35 = vector.broadcast %broadcast_in_dim3A_34 : vector<2048x1xi32> to vector<2048x8xi32>
    %eq3A_36 = arith.cmpi eq, %iota3A, %eq3A_35 : vector<2048x8xi32>
    %jit3A_37 = arith.constant 0xFF800000 : f32
    %broadcast_in_dim3A_38 = vector.broadcast %jit3A_37 : f32 to vector<2048x8xf32>
    %select_n3A_39 = arith.select %eq3A_36, %broadcast_in_dim3A_38, %div3A_27 : vector<2048x8xi1>, vector<2048x8xf32>
    %reduce_max3A_40 = arith.constant dense<0xFF800000> : vector<2048xf32>
    %reduce_max3A_41 = vector.multi_reduction <maximumf>, %select_n3A_39, %reduce_max3A_40 [1] : vector<2048x8xf32> to vector<2048xf32>
    %broadcast_in_dim3A_42 = vector.shape_cast %reduce_max3A_41 : vector<2048xf32> to vector<2048x1xf32>
    %eq3A_43 = vector.broadcast %broadcast_in_dim3A_42 : vector<2048x1xf32> to vector<2048x8xf32>
    %eq3A_44 = arith.cmpf oeq, %select_n3A_39, %eq3A_43 : vector<2048x8xf32>
    %jit3A_45 = arith.constant 8 : i32
    %broadcast_in_dim3A_46 = vector.broadcast %jit3A_45 : i32 to vector<2048x8xi32>
    %select_n3A_47 = arith.select %eq3A_44, %iota3A, %broadcast_in_dim3A_46 : vector<2048x8xi1>, vector<2048x8xi32>
    %reduce_min3A_48 = arith.constant dense<2147483647> : vector<2048xi32>
    %reduce_min3A_49 = vector.multi_reduction <minsi>, %select_n3A_47, %reduce_min3A_48 [1] : vector<2048x8xi32> to vector<2048xi32>
    %broadcast_in_dim3A_50 = vector.shape_cast %reduce_min3A_49 : vector<2048xi32> to vector<2048x1xi32>
    %add3A_51 = arith.addf %broadcast_in_dim3A_30, %broadcast_in_dim3A_42 : vector<2048x1xf32>
    %div3A_52 = arith.divf %broadcast_in_dim3A_30, %add3A_51 : vector<2048x1xf32>
    %swap3A_53 = arith.constant 0 : index
    %swap3A_54 = arith.constant 0 : index
    %swap3A_55 = vector.load %arg4[%swap3A_53, %swap3A_54] : memref<2048x1xf32, #tpu.memory_space<vmem>>, vector<2048x1xf32>
    tpu.vector_store %arg4[%swap3A_53, %swap3A_54], %div3A_52 {strides = array<i32>} : memref<2048x1xf32, #tpu.memory_space<vmem>>, vector<2048x1xf32>,
    %div3A_56 = arith.divf %broadcast_in_dim3A_42, %add3A_51 : vector<2048x1xf32>
    %swap3A_57 = arith.constant 0 : index
    %swap3A_58 = arith.constant 0 : index
    %swap3A_59 = vector.load %arg5[%swap3A_57, %swap3A_58] : memref<2048x1xf32, #tpu.memory_space<vmem>>, vector<2048x1xf32>
    tpu.vector_store %arg5[%swap3A_57, %swap3A_58], %div3A_56 {strides = array<i32>} : memref<2048x1xf32, #tpu.memory_space<vmem>>, vector<2048x1xf32>,
    %eq3A_60 = vector.broadcast %broadcast_in_dim3A_34 : vector<2048x1xi32> to vector<2048x8xi32>
    %eq3A_61 = arith.cmpi eq, %iota3A, %eq3A_60 : vector<2048x8xi32>
    %convert_element_type3A = arith.extui %eq3A_61 : vector<2048x8xi1> to vector<2048x8xi32>
    %convert_element_type3A_62 = arith.sitofp %convert_element_type3A : vector<2048x8xi32> to vector<2048x8xf32>
    %eq3A_63 = vector.broadcast %broadcast_in_dim3A_50 : vector<2048x1xi32> to vector<2048x8xi32>
    %eq3A_64 = arith.cmpi eq, %iota3A, %eq3A_63 : vector<2048x8xi32>
    %convert_element_type3A_65 = arith.extui %eq3A_64 : vector<2048x8xi1> to vector<2048x8xi32>
    %convert_element_type3A_66 = arith.sitofp %convert_element_type3A_65 : vector<2048x8xi32> to vector<2048x8xf32>
    %concatenate3A = tpu.concatenate %convert_element_type3A_62, %convert_element_type3A_66 in 0 : vector<2048x8xf32>, vector<2048x8xf32> -> vector<4096x8xf32>
    %iota3A_67 = tpu.iota {dimensions = array<i32: 0>} : vector<512x512xi32>
    %iota3A_68 = tpu.iota {dimensions = array<i32: 1>} : vector<512x512xi32>
    %ge3A = arith.cmpi sge, %iota3A_67, %iota3A_68 : vector<512x512xi32>
    %convert_element_type3A_69 = arith.extui %ge3A : vector<512x512xi1> to vector<512x512xi32>
    %convert_element_type3A_70 = arith.sitofp %convert_element_type3A_69 : vector<512x512xi32> to vector<512x512xf32>
    %broadcast_in_dim3A_71 = arith.constant 0.000000e+00 : f32
    %broadcast_in_dim3A_72 = vector.broadcast %broadcast_in_dim3A_71 : f32 to vector<1x8xf32>
    %slice3A = vector.extract_strided_slice %concatenate3A {offsets = [0, 0], sizes = [512, 8], strides = [1, 1]} : vector<4096x8xf32> to vector<512x8xf32>
    %dot_general3A_73 = arith.constant dense<0.000000e+00> : vector<512x8xf32>
    %dot_general3A_74 = tpu.matmul %convert_element_type3A_70, %slice3A, %dot_general3A_73 {dimension_numbers = #tpu.dot_dimension_numbers<[1], [0], [0], [1], [0, 0, 1, 1], [], []>, transpose_lhs_hint = false} : vector<512x512xf32>, vector<512x8xf32>, vector<512x8xf32> -> vector<512x8xf32>
    %add3A_75 = vector.broadcast %broadcast_in_dim3A_72 : vector<1x8xf32> to vector<512x8xf32>
    %add3A_76 = arith.addf %dot_general3A_74, %add3A_75 : vector<512x8xf32>
    %slice3A_77 = vector.extract_strided_slice %add3A_76 {offsets = [511, 0], sizes = [1, 8], strides = [1, 1]} : vector<512x8xf32> to vector<1x8xf32>
    %slice3A_78 = vector.extract_strided_slice %concatenate3A {offsets = [512, 0], sizes = [512, 8], strides = [1, 1]} : vector<4096x8xf32> to vector<512x8xf32>
    %dot_general3A_79 = arith.constant dense<0.000000e+00> : vector<512x8xf32>
    %dot_general3A_80 = tpu.matmul %convert_element_type3A_70, %slice3A_78, %dot_general3A_79 {dimension_numbers = #tpu.dot_dimension_numbers<[1], [0], [0], [1], [0, 0, 1, 1], [], []>, transpose_lhs_hint = false} : vector<512x512xf32>, vector<512x8xf32>, vector<512x8xf32> -> vector<512x8xf32>
    %add3A_81 = vector.broadcast %slice3A_77 : vector<1x8xf32> to vector<512x8xf32>
    %add3A_82 = arith.addf %dot_general3A_80, %add3A_81 : vector<512x8xf32>
    %slice3A_83 = vector.extract_strided_slice %add3A_82 {offsets = [511, 0], sizes = [1, 8], strides = [1, 1]} : vector<512x8xf32> to vector<1x8xf32>
    %slice3A_84 = vector.extract_strided_slice %concatenate3A {offsets = [1024, 0], sizes = [512, 8], strides = [1, 1]} : vector<4096x8xf32> to vector<512x8xf32>
    %dot_general3A_85 = arith.constant dense<0.000000e+00> : vector<512x8xf32>
    %dot_general3A_86 = tpu.matmul %convert_element_type3A_70, %slice3A_84, %dot_general3A_85 {dimension_numbers = #tpu.dot_dimension_numbers<[1], [0], [0], [1], [0, 0, 1, 1], [], []>, transpose_lhs_hint = false} : vector<512x512xf32>, vector<512x8xf32>, vector<512x8xf32> -> vector<512x8xf32>
    %add3A_87 = vector.broadcast %slice3A_83 : vector<1x8xf32> to vector<512x8xf32>
    %add3A_88 = arith.addf %dot_general3A_86, %add3A_87 : vector<512x8xf32>
    %slice3A_89 = vector.extract_strided_slice %add3A_88 {offsets = [511, 0], sizes = [1, 8], strides = [1, 1]} : vector<512x8xf32> to vector<1x8xf32>
    %slice3A_90 = vector.extract_strided_slice %concatenate3A {offsets = [1536, 0], sizes = [512, 8], strides = [1, 1]} : vector<4096x8xf32> to vector<512x8xf32>
    %dot_general3A_91 = arith.constant dense<0.000000e+00> : vector<512x8xf32>
    %dot_general3A_92 = tpu.matmul %convert_element_type3A_70, %slice3A_90, %dot_general3A_91 {dimension_numbers = #tpu.dot_dimension_numbers<[1], [0], [0], [1], [0, 0, 1, 1], [], []>, transpose_lhs_hint = false} : vector<512x512xf32>, vector<512x8xf32>, vector<512x8xf32> -> vector<512x8xf32>
    %add3A_93 = vector.broadcast %slice3A_89 : vector<1x8xf32> to vector<512x8xf32>
    %add3A_94 = arith.addf %dot_general3A_92, %add3A_93 : vector<512x8xf32>
    %slice3A_95 = vector.extract_strided_slice %add3A_94 {offsets = [511, 0], sizes = [1, 8], strides = [1, 1]} : vector<512x8xf32> to vector<1x8xf32>
    %slice3A_96 = vector.extract_strided_slice %concatenate3A {offsets = [2048, 0], sizes = [512, 8], strides = [1, 1]} : vector<4096x8xf32> to vector<512x8xf32>
    %dot_general3A_97 = arith.constant dense<0.000000e+00> : vector<512x8xf32>
    %dot_general3A_98 = tpu.matmul %convert_element_type3A_70, %slice3A_96, %dot_general3A_97 {dimension_numbers = #tpu.dot_dimension_numbers<[1], [0], [0], [1], [0, 0, 1, 1], [], []>, transpose_lhs_hint = false} : vector<512x512xf32>, vector<512x8xf32>, vector<512x8xf32> -> vector<512x8xf32>
    %add3A_99 = vector.broadcast %slice3A_95 : vector<1x8xf32> to vector<512x8xf32>
    %add3A_100 = arith.addf %dot_general3A_98, %add3A_99 : vector<512x8xf32>
    %slice3A_101 = vector.extract_strided_slice %add3A_100 {offsets = [511, 0], sizes = [1, 8], strides = [1, 1]} : vector<512x8xf32> to vector<1x8xf32>
    %slice3A_102 = vector.extract_strided_slice %concatenate3A {offsets = [2560, 0], sizes = [512, 8], strides = [1, 1]} : vector<4096x8xf32> to vector<512x8xf32>
    %dot_general3A_103 = arith.constant dense<0.000000e+00> : vector<512x8xf32>
    %dot_general3A_104 = tpu.matmul %convert_element_type3A_70, %slice3A_102, %dot_general3A_103 {dimension_numbers = #tpu.dot_dimension_numbers<[1], [0], [0], [1], [0, 0, 1, 1], [], []>, transpose_lhs_hint = false} : vector<512x512xf32>, vector<512x8xf32>, vector<512x8xf32> -> vector<512x8xf32>
    %add3A_105 = vector.broadcast %slice3A_101 : vector<1x8xf32> to vector<512x8xf32>
    %add3A_106 = arith.addf %dot_general3A_104, %add3A_105 : vector<512x8xf32>
    %slice3A_107 = vector.extract_strided_slice %add3A_106 {offsets = [511, 0], sizes = [1, 8], strides = [1, 1]} : vector<512x8xf32> to vector<1x8xf32>
    %slice3A_108 = vector.extract_strided_slice %concatenate3A {offsets = [3072, 0], sizes = [512, 8], strides = [1, 1]} : vector<4096x8xf32> to vector<512x8xf32>
    %dot_general3A_109 = arith.constant dense<0.000000e+00> : vector<512x8xf32>
    %dot_general3A_110 = tpu.matmul %convert_element_type3A_70, %slice3A_108, %dot_general3A_109 {dimension_numbers = #tpu.dot_dimension_numbers<[1], [0], [0], [1], [0, 0, 1, 1], [], []>, transpose_lhs_hint = false} : vector<512x512xf32>, vector<512x8xf32>, vector<512x8xf32> -> vector<512x8xf32>
    %add3A_111 = vector.broadcast %slice3A_107 : vector<1x8xf32> to vector<512x8xf32>
    %add3A_112 = arith.addf %dot_general3A_110, %add3A_111 : vector<512x8xf32>
    %slice3A_113 = vector.extract_strided_slice %add3A_112 {offsets = [511, 0], sizes = [1, 8], strides = [1, 1]} : vector<512x8xf32> to vector<1x8xf32>
    %slice3A_114 = vector.extract_strided_slice %concatenate3A {offsets = [3584, 0], sizes = [512, 8], strides = [1, 1]} : vector<4096x8xf32> to vector<512x8xf32>
    %dot_general3A_115 = arith.constant dense<0.000000e+00> : vector<512x8xf32>
    %dot_general3A_116 = tpu.matmul %convert_element_type3A_70, %slice3A_114, %dot_general3A_115 {dimension_numbers = #tpu.dot_dimension_numbers<[1], [0], [0], [1], [0, 0, 1, 1], [], []>, transpose_lhs_hint = false} : vector<512x512xf32>, vector<512x8xf32>, vector<512x8xf32> -> vector<512x8xf32>
    %add3A_117 = vector.broadcast %slice3A_113 : vector<1x8xf32> to vector<512x8xf32>
    %add3A_118 = arith.addf %dot_general3A_116, %add3A_117 : vector<512x8xf32>
    %slice3A_119 = vector.extract_strided_slice %add3A_118 {offsets = [511, 0], sizes = [1, 8], strides = [1, 1]} : vector<512x8xf32> to vector<1x8xf32>
    %concatenate3A_120 = tpu.concatenate %add3A_76, %add3A_82, %add3A_88, %add3A_94, %add3A_100, %add3A_106, %add3A_112, %add3A_118 in 0 : vector<512x8xf32>, vector<512x8xf32>, vector<512x8xf32>, vector<512x8xf32>, vector<512x8xf32>, vector<512x8xf32>, vector<512x8xf32>, vector<512x8xf32> -> vector<4096x8xf32>
    %iota3A_121 = tpu.iota {dimensions = array<i32: 0>} : vector<8x8xi32>
    %iota3A_122 = tpu.iota {dimensions = array<i32: 1>} : vector<8x8xi32>
    %lt3A = arith.cmpi slt, %iota3A_121, %iota3A_122 : vector<8x8xi32>
    %convert_element_type3A_123 = arith.extui %lt3A : vector<8x8xi1> to vector<8x8xi32>
    %convert_element_type3A_124 = arith.sitofp %convert_element_type3A_123 : vector<8x8xi32> to vector<8x8xf32>
    %dot_general3A_125 = arith.constant dense<0.000000e+00> : vector<1x8xf32>
    %dot_general3A_126 = tpu.matmul %slice3A_119, %convert_element_type3A_124, %dot_general3A_125 {dimension_numbers = #tpu.dot_dimension_numbers<[1], [0], [0], [1], [0, 0, 1, 1], [], []>, precision = #tpu.contract_precision<fp32>, transpose_lhs_hint = false} : vector<1x8xf32>, vector<8x8xf32>, vector<1x8xf32> -> vector<1x8xf32>
    %sub3A_127 = arith.constant 1.000000e+00 : f32
    %sub3A_128 = vector.broadcast %sub3A_127 : f32 to vector<4096x8xf32>
    %sub3A_129 = arith.subf %concatenate3A_120, %sub3A_128 : vector<4096x8xf32>
    %add3A_130 = vector.broadcast %dot_general3A_126 : vector<1x8xf32> to vector<4096x8xf32>
    %add3A_131 = arith.addf %sub3A_129, %add3A_130 : vector<4096x8xf32>
    %mul3A_132 = arith.mulf %concatenate3A, %add3A_131 : vector<4096x8xf32>
    %reduce_sum3A_133 = arith.constant dense<0.000000e+00> : vector<4096xf32>
    %reduce_sum3A_134 = vector.multi_reduction <add>, %mul3A_132, %reduce_sum3A_133 [1] : vector<4096x8xf32> to vector<4096xf32>
    %broadcast_in_dim3A_135 = vector.shape_cast %reduce_sum3A_134 : vector<4096xf32> to vector<4096x1xf32>
    %convert_element_type3A_136 = arith.fptosi %broadcast_in_dim3A_135 : vector<4096x1xf32> to vector<4096x1xi32>
    %swap3A_137 = arith.constant 0 : index
    %swap3A_138 = arith.constant 0 : index
    %swap3A_139 = vector.load %arg6[%swap3A_137, %swap3A_138] : memref<4096x1xi32, #tpu.memory_space<vmem>>, vector<4096x1xi32>
    tpu.vector_store %arg6[%swap3A_137, %swap3A_138], %convert_element_type3A_136 {strides = array<i32>} : memref<4096x1xi32, #tpu.memory_space<vmem>>, vector<4096x1xi32>,
    %broadcast_in_dim3A_140 = arith.constant 1.000000e+00 : f32
    %broadcast_in_dim3A_141 = vector.broadcast %broadcast_in_dim3A_140 : f32 to vector<4096x1xf32>
    %dot_general3A_142 = arith.constant dense<0.000000e+00> : vector<8x1xf32>
    %dot_general3A_143 = tpu.matmul %concatenate3A, %broadcast_in_dim3A_141, %dot_general3A_142 {dimension_numbers = #tpu.dot_dimension_numbers<[0], [0], [1], [1], [0, 1, 1, 1], [], []>, transpose_lhs_hint = false} : vector<4096x8xf32>, vector<4096x1xf32>, vector<8x1xf32> -> vector<8x1xf32>
    %lt3A_144 = arith.cmpi slt, %iota3A_122, %iota3A_121 : vector<8x8xi32>
    %convert_element_type3A_145 = arith.extui %lt3A_144 : vector<8x8xi1> to vector<8x8xi32>
    %convert_element_type3A_146 = arith.sitofp %convert_element_type3A_145 : vector<8x8xi32> to vector<8x8xf32>
    %dot_general3A_147 = arith.constant dense<0.000000e+00> : vector<8x1xf32>
    %dot_general3A_148 = tpu.matmul %convert_element_type3A_146, %dot_general3A_143, %dot_general3A_147 {dimension_numbers = #tpu.dot_dimension_numbers<[1], [0], [0], [1], [0, 0, 1, 1], [], []>, precision = #tpu.contract_precision<fp32>, transpose_lhs_hint = false} : vector<8x8xf32>, vector<8x1xf32>, vector<8x1xf32> -> vector<8x1xf32>
    %iota3A_149 = tpu.iota {dimensions = array<i32: 1>} : vector<1x32xi32>
    %iota3A_150 = tpu.iota {dimensions = array<i32: 0>} : vector<32x1xi32>
    %iota3A_151 = tpu.iota {dimensions = array<i32: 0>} : vector<8x32xi32>
    %iota3A_152 = tpu.iota {dimensions = array<i32: 1>} : vector<8x32xi32>
    %add3A_153 = arith.constant 15 : i32
    %add3A_154 = vector.broadcast %add3A_153 : i32 to vector<8x32xi32>
    %add3A_155 = arith.addi %iota3A_151, %add3A_154 : vector<8x32xi32>
    %eq3A_156 = arith.cmpi eq, %iota3A_152, %add3A_155 : vector<8x32xi32>
    %ge3A_157 = arith.constant 1 : i32
    %ge3A_158 = vector.broadcast %ge3A_157 : i32 to vector<8x32xi32>
    %ge3A_159 = arith.cmpi sge, %iota3A_151, %ge3A_158 : vector<8x32xi32>
    %and3A = arith.andi %eq3A_156, %ge3A_159 : vector<8x32xi1>
    %convert_element_type3A_160 = arith.extui %and3A : vector<8x32xi1> to vector<8x32xi32>
    %convert_element_type3A_161 = arith.sitofp %convert_element_type3A_160 : vector<8x32xi32> to vector<8x32xf32>
    %iota3A_162 = tpu.iota {dimensions = array<i32: 0>} : vector<32x8xi32>
    %iota3A_163 = tpu.iota {dimensions = array<i32: 1>} : vector<32x8xi32>
    %add3A_164 = arith.constant 15 : i32
    %add3A_165 = vector.broadcast %add3A_164 : i32 to vector<32x8xi32>
    %add3A_166 = arith.addi %iota3A_163, %add3A_165 : vector<32x8xi32>
    %eq3A_167 = arith.cmpi eq, %iota3A_162, %add3A_166 : vector<32x8xi32>
    %ge3A_168 = arith.constant 1 : i32
    %ge3A_169 = vector.broadcast %ge3A_168 : i32 to vector<32x8xi32>
    %ge3A_170 = arith.cmpi sge, %iota3A_163, %ge3A_169 : vector<32x8xi32>
    %and3A_171 = arith.andi %eq3A_167, %ge3A_170 : vector<32x8xi1>
    %convert_element_type3A_172 = arith.extui %and3A_171 : vector<32x8xi1> to vector<32x8xi32>
    %convert_element_type3A_173 = arith.sitofp %convert_element_type3A_172 : vector<32x8xi32> to vector<32x8xf32>
    %lt3A_174 = arith.constant 16 : i32
    %lt3A_175 = vector.broadcast %lt3A_174 : i32 to vector<1x32xi32>
    %lt3A_176 = arith.cmpi slt, %iota3A_149, %lt3A_175 : vector<1x32xi32>
    %convert_element_type3A_177 = arith.sitofp %iota3A_149 : vector<1x32xi32> to vector<1x32xf32>
    %mul3A_178 = arith.constant 2.560000e+02 : f32
    %mul3A_179 = vector.broadcast %mul3A_178 : f32 to vector<1x32xf32>
    %mul3A_180 = arith.mulf %mul3A_179, %convert_element_type3A_177 : vector<1x32xf32>
    %jit3A_181 = arith.constant 0.000000e+00 : f32
    %broadcast_in_dim3A_182 = vector.broadcast %jit3A_181 : f32 to vector<1x32xf32>
    %select_n3A_183 = arith.select %lt3A_176, %mul3A_180, %broadcast_in_dim3A_182 : vector<1x32xi1>, vector<1x32xf32>
    %dot_general3A_184 = arith.constant dense<0.000000e+00> : vector<1x32xf32>
    %dot_general3A_185 = tpu.matmul %dot_general3A_126, %convert_element_type3A_161, %dot_general3A_184 {dimension_numbers = #tpu.dot_dimension_numbers<[1], [0], [0], [1], [0, 0, 1, 1], [], []>, precision = #tpu.contract_precision<fp32>, transpose_lhs_hint = false} : vector<1x8xf32>, vector<8x32xf32>, vector<1x32xf32> -> vector<1x32xf32>
    %add3A_186 = arith.addf %select_n3A_183, %dot_general3A_185 : vector<1x32xf32>
    %ge3A_187 = arith.constant 23 : i32
    %ge3A_188 = vector.broadcast %ge3A_187 : i32 to vector<1x32xi32>
    %ge3A_189 = arith.cmpi sge, %iota3A_149, %ge3A_188 : vector<1x32xi32>
    %jit3A_190 = arith.constant 4.096000e+03 : f32
    %jit3A_191 = arith.constant 0.000000e+00 : f32
    %broadcast_in_dim3A_192 = vector.broadcast %jit3A_190 : f32 to vector<1x32xf32>
    %broadcast_in_dim3A_193 = vector.broadcast %jit3A_191 : f32 to vector<1x32xf32>
    %select_n3A_194 = arith.select %ge3A_189, %broadcast_in_dim3A_192, %broadcast_in_dim3A_193 : vector<1x32xi1>, vector<1x32xf32>
    %add3A_195 = arith.addf %add3A_186, %select_n3A_194 : vector<1x32xf32>
    %lt3A_196 = arith.constant 16 : i32
    %lt3A_197 = vector.broadcast %lt3A_196 : i32 to vector<32x1xi32>
    %lt3A_198 = arith.cmpi slt, %iota3A_150, %lt3A_197 : vector<32x1xi32>
    %convert_element_type3A_199 = arith.sitofp %iota3A_150 : vector<32x1xi32> to vector<32x1xf32>
    %mul3A_200 = arith.constant 2.560000e+02 : f32
    %mul3A_201 = vector.broadcast %mul3A_200 : f32 to vector<32x1xf32>
    %mul3A_202 = arith.mulf %mul3A_201, %convert_element_type3A_199 : vector<32x1xf32>
    %jit3A_203 = arith.constant 0.000000e+00 : f32
    %broadcast_in_dim3A_204 = vector.broadcast %jit3A_203 : f32 to vector<32x1xf32>
    %select_n3A_205 = arith.select %lt3A_198, %mul3A_202, %broadcast_in_dim3A_204 : vector<32x1xi1>, vector<32x1xf32>
    %dot_general3A_206 = arith.constant dense<0.000000e+00> : vector<32x1xf32>
    %dot_general3A_207 = tpu.matmul %convert_element_type3A_173, %dot_general3A_148, %dot_general3A_206 {dimension_numbers = #tpu.dot_dimension_numbers<[1], [0], [0], [1], [0, 0, 1, 1], [], []>, precision = #tpu.contract_precision<fp32>, transpose_lhs_hint = false} : vector<32x8xf32>, vector<8x1xf32>, vector<32x1xf32> -> vector<32x1xf32>
    %add3A_208 = arith.addf %select_n3A_205, %dot_general3A_207 : vector<32x1xf32>
    %ge3A_209 = arith.constant 23 : i32
    %ge3A_210 = vector.broadcast %ge3A_209 : i32 to vector<32x1xi32>
    %ge3A_211 = arith.cmpi sge, %iota3A_150, %ge3A_210 : vector<32x1xi32>
    %jit3A_212 = arith.constant 4.096000e+03 : f32
    %jit3A_213 = arith.constant 0.000000e+00 : f32
    %broadcast_in_dim3A_214 = vector.broadcast %jit3A_212 : f32 to vector<32x1xf32>
    %broadcast_in_dim3A_215 = vector.broadcast %jit3A_213 : f32 to vector<32x1xf32>
    %select_n3A_216 = arith.select %ge3A_211, %broadcast_in_dim3A_214, %broadcast_in_dim3A_215 : vector<32x1xi1>, vector<32x1xf32>
    %add3A_217 = arith.addf %add3A_208, %select_n3A_216 : vector<32x1xf32>
    %iota3A_218 = tpu.iota {dimensions = array<i32: 0>} : vector<32x32xi32>
    %iota3A_219 = tpu.iota {dimensions = array<i32: 1>} : vector<32x32xi32>
    %gt3A = vector.broadcast %add3A_217 : vector<32x1xf32> to vector<32x32xf32>
    %gt3A_220 = vector.broadcast %add3A_195 : vector<1x32xf32> to vector<32x32xf32>
    %gt3A_221 = arith.cmpf ogt, %gt3A, %gt3A_220 : vector<32x32xf32>
    %convert_element_type3A_222 = arith.extui %gt3A_221 : vector<32x32xi1> to vector<32x32xi32>
    %convert_element_type3A_223 = arith.sitofp %convert_element_type3A_222 : vector<32x32xi32> to vector<32x32xf32>
    %eq3A_224 = vector.broadcast %add3A_217 : vector<32x1xf32> to vector<32x32xf32>
    %eq3A_225 = vector.broadcast %add3A_195 : vector<1x32xf32> to vector<32x32xf32>
    %eq3A_226 = arith.cmpf oeq, %eq3A_224, %eq3A_225 : vector<32x32xf32>
    %lt3A_227 = arith.cmpi slt, %iota3A_219, %iota3A_218 : vector<32x32xi32>
    %and3A_228 = arith.andi %eq3A_226, %lt3A_227 : vector<32x32xi1>
    %convert_element_type3A_229 = arith.extui %and3A_228 : vector<32x32xi1> to vector<32x32xi32>
    %convert_element_type3A_230 = arith.sitofp %convert_element_type3A_229 : vector<32x32xi32> to vector<32x32xf32>
    %add3A_231 = arith.addf %convert_element_type3A_223, %convert_element_type3A_230 : vector<32x32xf32>
    %broadcast_in_dim3A_232 = arith.constant 1.000000e+00 : f32
    %broadcast_in_dim3A_233 = vector.broadcast %broadcast_in_dim3A_232 : f32 to vector<32x1xf32>
    %dot_general3A_234 = arith.constant dense<0.000000e+00> : vector<32x1xf32>
    %dot_general3A_235 = tpu.matmul %add3A_231, %broadcast_in_dim3A_233, %dot_general3A_234 {dimension_numbers = #tpu.dot_dimension_numbers<[1], [0], [0], [1], [0, 0, 1, 1], [], []>, transpose_lhs_hint = false} : vector<32x32xf32>, vector<32x1xf32>, vector<32x1xf32> -> vector<32x1xf32>
    %convert_element_type3A_236 = arith.sitofp %iota3A_149 : vector<1x32xi32> to vector<1x32xf32>
    %eq3A_237 = vector.broadcast %dot_general3A_235 : vector<32x1xf32> to vector<32x32xf32>
    %eq3A_238 = vector.broadcast %convert_element_type3A_236 : vector<1x32xf32> to vector<32x32xf32>
    %eq3A_239 = arith.cmpf oeq, %eq3A_237, %eq3A_238 : vector<32x32xf32>
    %convert_element_type3A_240 = arith.extui %eq3A_239 : vector<32x32xi1> to vector<32x32xi32>
    %convert_element_type3A_241 = arith.sitofp %convert_element_type3A_240 : vector<32x32xi32> to vector<32x32xf32>
    %dot_general3A_242 = arith.constant dense<0.000000e+00> : vector<1x32xf32>
    %dot_general3A_243 = tpu.matmul %add3A_195, %convert_element_type3A_241, %dot_general3A_242 {dimension_numbers = #tpu.dot_dimension_numbers<[1], [0], [0], [1], [0, 0, 1, 1], [], []>, precision = #tpu.contract_precision<fp32>, transpose_lhs_hint = false} : vector<1x32xf32>, vector<32x32xf32>, vector<1x32xf32> -> vector<1x32xf32>
    %add3A_244 = arith.constant 1 : i32
    %add3A_245 = vector.broadcast %add3A_244 : i32 to vector<32x32xi32>
    %add3A_246 = arith.addi %iota3A_219, %add3A_245 : vector<32x32xi32>
    %eq3A_247 = arith.cmpi eq, %iota3A_218, %add3A_246 : vector<32x32xi32>
    %convert_element_type3A_248 = arith.extui %eq3A_247 : vector<32x32xi1> to vector<32x32xi32>
    %convert_element_type3A_249 = arith.sitofp %convert_element_type3A_248 : vector<32x32xi32> to vector<32x32xf32>
    %dot_general3A_250 = arith.constant dense<0.000000e+00> : vector<1x32xf32>
    %dot_general3A_251 = tpu.matmul %dot_general3A_243, %convert_element_type3A_249, %dot_general3A_250 {dimension_numbers = #tpu.dot_dimension_numbers<[1], [0], [0], [1], [0, 0, 1, 1], [], []>, precision = #tpu.contract_precision<fp32>, transpose_lhs_hint = false} : vector<1x32xf32>, vector<32x32xf32>, vector<1x32xf32> -> vector<1x32xf32>
    %div3A_252 = arith.constant 2.560000e+02 : f32
    %div3A_253 = vector.broadcast %div3A_252 : f32 to vector<1x32xf32>
    %div3A_254 = arith.divf %dot_general3A_243, %div3A_253 : vector<1x32xf32>
    %floor3A = math.floor %div3A_254 : vector<1x32xf32>
    %min3A = arith.constant 1.500000e+01 : f32
    %min3A_255 = vector.broadcast %min3A : f32 to vector<1x32xf32>
    %min3A_256 = arith.minimumf %floor3A, %min3A_255 : vector<1x32xf32>
    %le3A = vector.broadcast %dot_general3A_148 : vector<8x1xf32> to vector<8x32xf32>
    %le3A_257 = vector.broadcast %dot_general3A_243 : vector<1x32xf32> to vector<8x32xf32>
    %le3A_258 = arith.cmpf ole, %le3A, %le3A_257 : vector<8x32xf32>
    %ge3A_259 = arith.constant 1 : i32
    %ge3A_260 = vector.broadcast %ge3A_259 : i32 to vector<8x32xi32>
    %ge3A_261 = arith.cmpi sge, %iota3A_151, %ge3A_260 : vector<8x32xi32>
    %and3A_262 = arith.andi %le3A_258, %ge3A_261 : vector<8x32xi1>
    %convert_element_type3A_263 = arith.extui %and3A_262 : vector<8x32xi1> to vector<8x32xi32>
    %convert_element_type3A_264 = arith.sitofp %convert_element_type3A_263 : vector<8x32xi32> to vector<8x32xf32>
    %broadcast_in_dim3A_265 = arith.constant 1.000000e+00 : f32
    %broadcast_in_dim3A_266 = vector.broadcast %broadcast_in_dim3A_265 : f32 to vector<1x8xf32>
    %dot_general3A_267 = arith.constant dense<0.000000e+00> : vector<1x32xf32>
    %dot_general3A_268 = tpu.matmul %broadcast_in_dim3A_266, %convert_element_type3A_264, %dot_general3A_267 {dimension_numbers = #tpu.dot_dimension_numbers<[1], [0], [0], [1], [0, 0, 1, 1], [], []>, transpose_lhs_hint = false} : vector<1x8xf32>, vector<8x32xf32>, vector<1x32xf32> -> vector<1x32xf32>
    %broadcast_in_dim3A_269 = arith.constant 0.000000e+00 : f32
    %broadcast_in_dim3A_270 = vector.broadcast %broadcast_in_dim3A_269 : f32 to vector<4x32xf32>
    %concatenate3A_271 = tpu.concatenate %min3A_256, %dot_general3A_268, %dot_general3A_243, %dot_general3A_251, %broadcast_in_dim3A_270 in 0 : vector<1x32xf32>, vector<1x32xf32>, vector<1x32xf32>, vector<1x32xf32>, vector<4x32xf32> -> vector<8x32xf32>
    %convert_element_type3A_272 = arith.fptosi %concatenate3A_271 : vector<8x32xf32> to vector<8x32xi32>
    %swap3A_273 = arith.constant 0 : index
    %swap3A_274 = arith.constant 0 : index
    %swap3A_275 = vector.load %arg7[%swap3A_273, %swap3A_274] : memref<8x32xi32, #tpu.memory_space<vmem>>, vector<8x32xi32>
    tpu.vector_store %arg7[%swap3A_273, %swap3A_274], %convert_element_type3A_272 {strides = array<i32>} : memref<8x32xi32, #tpu.memory_space<vmem>>, vector<8x32xi32>,
    return
  }
}

module attributes {stable_mosaic.version = 14 : i64} {
  func.func @_final_body(%arg0: i32, %arg1: memref<256x1024xf32, #tpu.memory_space<vmem>>, %arg2: memref<256x1024xf32, #tpu.memory_space<vmem>>, %arg3: memref<256x1024xf32, #tpu.memory_space<vmem>>, %arg4: memref<256x1xf32, #tpu.memory_space<vmem>>, %arg5: memref<256x1xf32, #tpu.memory_space<vmem>>, %arg6: memref<256x1024xf32, #tpu.memory_space<vmem>>) attributes {dimension_semantics = [#tpu.dimension_semantics<arbitrary>], iteration_bounds = array<i64: 8>, scalar_prefetch = 0 : i64, scratch_operands = 0 : i64, tpu.core_type = #tpu.core_type<tc>, window_params = [{transform_indices = @transform_0, window_bounds = array<i64: 256, 1024>}, {transform_indices = @transform_1, window_bounds = array<i64: 256, 1024>}, {transform_indices = @transform_2, window_bounds = array<i64: 256, 1024>}, {transform_indices = @transform_3, window_bounds = array<i64: 256, 1>}, {transform_indices = @transform_4, window_bounds = array<i64: 256, 1>}, {transform_indices = @transform_5, window_bounds = array<i64: 256, 1024>}]} {
    %get3A = arith.constant 0 : index
    %get3A_0 = arith.constant 0 : index
    %get3A_1 = vector.load %arg1[%get3A, %get3A_0] : memref<256x1024xf32, #tpu.memory_space<vmem>>, vector<256x1024xf32>
    %get3A_2 = arith.constant 0 : index
    %get3A_3 = arith.constant 0 : index
    %get3A_4 = vector.load %arg4[%get3A_2, %get3A_3] : memref<256x1xf32, #tpu.memory_space<vmem>>, vector<256x1xf32>
    %get3A_5 = arith.constant 0 : index
    %get3A_6 = arith.constant 0 : index
    %get3A_7 = vector.load %arg2[%get3A_5, %get3A_6] : memref<256x1024xf32, #tpu.memory_space<vmem>>, vector<256x1024xf32>
    %mul3A = vector.broadcast %get3A_4 : vector<256x1xf32> to vector<256x1024xf32>
    %mul3A_8 = arith.mulf %mul3A, %get3A_7 : vector<256x1024xf32>
    %add3A = arith.addf %get3A_1, %mul3A_8 : vector<256x1024xf32>
    %get3A_9 = arith.constant 0 : index
    %get3A_10 = arith.constant 0 : index
    %get3A_11 = vector.load %arg5[%get3A_9, %get3A_10] : memref<256x1xf32, #tpu.memory_space<vmem>>, vector<256x1xf32>
    %get3A_12 = arith.constant 0 : index
    %get3A_13 = arith.constant 0 : index
    %get3A_14 = vector.load %arg3[%get3A_12, %get3A_13] : memref<256x1024xf32, #tpu.memory_space<vmem>>, vector<256x1024xf32>
    %mul3A_15 = vector.broadcast %get3A_11 : vector<256x1xf32> to vector<256x1024xf32>
    %mul3A_16 = arith.mulf %mul3A_15, %get3A_14 : vector<256x1024xf32>
    %add3A_17 = arith.addf %add3A, %mul3A_16 : vector<256x1024xf32>
    %swap3A = arith.constant 0 : index
    %swap3A_18 = arith.constant 0 : index
    %swap3A_19 = vector.load %arg6[%swap3A, %swap3A_18] : memref<256x1024xf32, #tpu.memory_space<vmem>>, vector<256x1024xf32>
    tpu.vector_store %arg6[%swap3A, %swap3A_18], %add3A_17 {strides = array<i32>} : memref<256x1024xf32, #tpu.memory_space<vmem>>, vector<256x1024xf32>,
    return
  }
  func.func @transform_0(%arg0: i32) -> (i32, i32) {
    %c0_i32 = arith.constant 0 : i32
    %c0_i32_0 = arith.constant 0 : i32
    return %arg0, %c0_i32 : i32, i32
  }
  func.func @transform_1(%arg0: i32) -> (i32, i32) {
    %c0_i32 = arith.constant 0 : i32
    %c0_i32_0 = arith.constant 0 : i32
    return %arg0, %c0_i32 : i32, i32
  }
  func.func @transform_2(%arg0: i32) -> (i32, i32) {
    %add3A = arith.constant 8 : i32
    %add3A_0 = arith.addi %arg0, %add3A : i32
    %c0_i32 = arith.constant 0 : i32
    %c0_i32_1 = arith.constant 0 : i32
    return %add3A_0, %c0_i32 : i32, i32
  }
  func.func @transform_3(%arg0: i32) -> (i32, i32) {
    %c0_i32 = arith.constant 0 : i32
    %c0_i32_0 = arith.constant 0 : i32
    return %arg0, %c0_i32 : i32, i32
  }
  func.func @transform_4(%arg0: i32) -> (i32, i32) {
    %c0_i32 = arith.constant 0 : i32
    %c0_i32_0 = arith.constant 0 : i32
    return %arg0, %c0_i32 : i32, i32
  }
  func.func @transform_5(%arg0: i32) -> (i32, i32) {
    %c0_i32 = arith.constant 0 : i32
    %c0_i32_0 = arith.constant 0 : i32
    return %arg0, %c0_i32 : i32, i32
  }
}

</mosaic_0001>

<sc_bundles>
// kernel: kernel.11.cloned.1.call-start
scs
__scs_entry_jumppad:
0x0: {  	(pc) =	sbr.rel $0x88, $3  }
0x1: {  	(tag) =	ssettag $0x0;
	lr =	simm.s32 $0x1  }
0x2: {  	[smem:$0x3F9A] =	sst lr;
	_ =	strace $0xD0000000  }
0x3: {  	_ = 	snop  }
0x4: {  	_ = 	snop  }
0x5: {  	_ = 	snop  }
0x6: {  	_ = 	snop  }
0x7: {  	_ = 	snop  }
__scs_overlays_trampoline_lowered:
0x8: {  	[smem:$0x3FA9] =	sst s0  }
0x9: {  	[smem:$0x3FAA] =	sst s1  }
0xa: {  	[smem:$0x3FAB] =	sst s2  }
0xb: {  	[smem:$0x3FAC] =	sst s3  }
0xc: {  	[smem:$0x3FAD] =	sst s4  }
0xd: {  	[smem:$0x3FAE] =	sst s5  }
0xe: {  	[smem:$0x3FAF] =	sst s6  }
0xf: {  	[smem:$0x3FB0] =	sst s7  }
0x10: {  	[smem:$0x3FB1] =	sst s8  }
0x11: {  	[smem:$0x3FB2] =	sst s9;
	s0 =	simm.s32 @!p0 $0x0  }
0x12: {  	s1 =	sld [smem:$0x3F98];
	s0 =	simm.s32 @p0 $0x1  }
0x13: {  	[smem:$0x3FB3] =	sst s0;
	s0 =	simm.s32 @!p1 $0x0  }
0x14: {  	s2 =	sld [smem:$0x3F97];
	s0 =	simm.s32 @p1 $0x1  }
0x15: {  	[smem:$0x3FB4] =	sst s0;
	s0 =	simm.s32 @!p2 $0x0  }
0x16: {  	s3 =	sld [smem:$0x3FDB];
	s0 =	simm.s32 @p2 $0x1  }
0x17: {  	s4 =	simm.s32 $0x1BF5;
	[smem:$0x3FB6] =	sst s0  }
0x18: {  	s0 =	sld [smem:$0x3F99];
	_ =	swait.ge [sflag:s4], $0x0  }
0x19: {  	s7 =	sld [smem:$0x3F9A]  }
0x1a: {  	s8 =	sadd.s32 $0xFFFFE003, lr  }
0x1b: {  	s9 =	sadd.s32 $0xFFFFFEF7, lr;
	s5 =	simm.s32 $0xFFFFFFFF;
	p2 =	slt.u32 s8, $0xFFFFF086  }
0x1c: {  	p1 =	slt.u32 s9, $0xF7A;
	s5 =	simm.s32 @!p2 $0x0  }
0x1d: {  	s5 =	simm.s32 @p1 $0x1;
	p0 =	seq.s32 s7, s2  }
0x1e: {  	s7 =	smul.u32 @!p0 $0xF7A, s2;
	p2 =	seq.s32 @!p0 s5, $0x0  }
0x1f: {  	s9 =	smul.u32 $0xF7A, s1;
	s8 =	simm.s32 @!p0 $0x1BF5;
	p2 =	por !p2, p0  }
0x20: {  	[sflag:s8] =	ssyncset.s32 @!p0 $0xFFFFF086;
	s6 =	sadd.s32 @!p0 s3, s7;
	s7 =	simm.s32 @!p0 $0x108  }
0x21: {  	s3 =	sadd.s32 s3, s9;
	s6 =	sadd.s32 @!p0 $0x88, s6;
	s7 =	simm.s32 @p2 $0x1082  }
0x22: {  	[simem:s7], [sflag:s8] =	dma.local @!p0 [hbm:s6], $0xF7A  }
0x23: {  	s9 =	sor.u32 $0xD0000000, s2;
	s6 =	simm.s32 $0x108;
	_ =	swait.ge @!p0 [sflag:s8], $0x0  }
0x24: {  	s3 =	sadd.s32 $0x88, s3;
	s6 =	simm.s32 @!p1 $0x1082;
	[sflag:s4] =	ssyncset.s32 $0xFFFFF086  }
0x25: {  	[simem:s6], [sflag:s4] =	dma.local [hbm:s3], $0xF7A  }
0x26: {  	[smem:$0x3F9A] =	sst s1;
	(tag) =	ssettag s2;
	_ =	strace s9  }
0x27: {  	s1 =	sld [smem:$0x3FAA]  }
0x28: {  	s2 =	sld [smem:$0x3FAB]  }
0x29: {  	s4 =	sld [smem:$0x3FAD]  }
0x2a: {  	p0 =	seq.s32 s5, $0x0;
	s5 =	sld [smem:$0x3FAE]  }
0x2b: {  	s6 =	sld [smem:$0x3FAF]  }
0x2c: {  	s7 =	sld [smem:$0x3FB0]  }
0x2d: {  	s3 =	simm.s32 $0x108;
	s8 =	sld [smem:$0x3FB1]  }
0x2e: {  	s3 =	simm.s32 @!p0 $0x1082;
	s9 =	sld [smem:$0x3FB2]  }
0x2f: {  	lr =	sadd.s32 s0, s3;
	s0 =	sld [smem:$0x3FA9]  }
0x30: {  	s3 =	sld [smem:$0x3FAC]  }
0x31: {  	[smem:$0x3FB5] =	sst s10  }
0x32: {  	s10 =	sld [smem:$0x3FB3];
	_ =	sdelay $0x3  }
0x33: {  	p0 =	seq.s32 s10, $0x1;
	s10 =	sld [smem:$0x3FB5];
	_ =	sdelay $0x3  }
0x34: {  	[smem:$0x3FB5] =	sst s10  }
0x35: {  	s10 =	sld [smem:$0x3FB4];
	_ =	sdelay $0x3  }
0x36: {  	p1 =	seq.s32 s10, $0x1;
	s10 =	sld [smem:$0x3FB5];
	_ =	sdelay $0x3  }
0x37: {  	[smem:$0x3FB5] =	sst s10  }
0x38: {  	s10 =	sld [smem:$0x3FB6]  }
0x39: {  	_ = 	snop;
	(pc) =	sbr.ind lr, $3  }
0x3a: {  	_ = 	snop  }
0x3b: {  	_ = 	snop  }
0x3c: {  	p2 =	seq.s32 s10, $0x1;
	s10 =	sld [smem:$0x3FB5]  }
0x3d: {  	_ =	shalt  }
0x3e: {  	_ =	shalt  }
0x3f: {  	_ =	shalt  }
0x40: {  	_ =	shalt  }
0x41: {  	_ =	shalt  }
0x42: {  	_ =	shalt  }
0x43: {  	_ =	shalt  }
0x44: {  	_ =	shalt  }
0x45: {  	_ =	shalt  }
0x46: {  	_ =	shalt  }
0x47: {  	_ =	shalt  }
0x48: {  	_ =	shalt  }
0x49: {  	_ =	shalt  }
0x4a: {  	_ =	shalt  }
0x4b: {  	_ =	shalt  }
0x4c: {  	_ =	shalt  }
0x4d: {  	_ =	shalt  }
0x4e: {  	_ =	shalt  }
0x4f: {  	_ =	shalt  }
0x50: {  	_ =	shalt  }
0x51: {  	_ =	shalt  }
0x52: {  	_ =	shalt  }
0x53: {  	_ =	shalt  }
0x54: {  	_ =	shalt  }
0x55: {  	_ =	shalt  }
0x56: {  	_ =	shalt  }
0x57: {  	_ =	shalt  }
0x58: {  	_ =	shalt  }
0x59: {  	_ =	shalt  }
0x5a: {  	_ =	shalt  }
0x5b: {  	_ =	shalt  }
0x5c: {  	_ =	shalt  }
0x5d: {  	_ =	shalt  }
0x5e: {  	_ =	shalt  }
0x5f: {  	_ =	shalt  }
0x60: {  	_ =	shalt  }
0x61: {  	_ =	shalt  }
0x62: {  	_ =	shalt  }
0x63: {  	_ =	shalt  }
0x64: {  	_ =	shalt  }
0x65: {  	_ =	shalt  }
0x66: {  	_ =	shalt  }
0x67: {  	_ =	shalt  }
0x68: {  	_ =	shalt  }
0x69: {  	_ =	shalt  }
0x6a: {  	_ =	shalt  }
0x6b: {  	_ =	shalt  }
0x6c: {  	_ =	shalt  }
0x6d: {  	_ =	shalt  }
0x6e: {  	_ =	shalt  }
0x6f: {  	_ =	shalt  }
0x70: {  	_ =	shalt  }
0x71: {  	_ =	shalt  }
0x72: {  	_ =	shalt  }
0x73: {  	_ =	shalt  }
0x74: {  	_ =	shalt  }
0x75: {  	_ =	shalt  }
0x76: {  	_ =	shalt  }
0x77: {  	_ =	shalt  }
0x78: {  	_ =	shalt  }
0x79: {  	_ =	shalt  }
0x7a: {  	_ =	shalt  }
0x7b: {  	_ =	shalt  }
0x7c: {  	_ =	shalt  }
0x7d: {  	_ =	shalt  }
0x7e: {  	_ =	shalt  }
0x7f: {  	_ =	shalt  }
0x80: {  	_ =	shalt  }
0x81: {  	_ =	shalt  }
0x82: {  	_ =	shalt  }
0x83: {  	_ =	shalt  }
0x84: {  	_ =	shalt  }
0x85: {  	_ =	shalt  }
0x86: {  	_ =	shalt  }
0x87: {  	_ =	shalt  }
.Lfunc_end0:
.L_simem_size_0:
called_computation.1_lowered:
.L_overlay_start_0:
0x88: {  	s2 =	sld [smem:$0x3FD9]  }
0x89: {  	s3 =	sld [smem:$0x3FFE];
	_ =	sdelay $0x1  }
0x8a: {  	s1 =	srdreg.scid  }
0x8b: {  	s0 =	sand.u32 $0x1, s1  }
0x8c: {  	s16 =	sshll.u32 s0, $0xA;
	s2 =	sadd.s32 s3, s2  }
0x8d: {  	s2 =	sadd.s32 s2, s16  }
0x8e: {  	[smem:$0x3FC1] =	sst s2  }
0x8f: {  	_ = 	snop  }
0x90: {  	(tm) =	ssettm $0x1  }
0x91: {  	s17 =	sld [smem:$0x3FFB];
	_ =	sdelay $0x3  }
0x92: {  	_ =	strace s17  }
0x93: {  	s2 =	sld [smem:$0x3FFC];
	_ =	sdelay $0x3  }
0x94: {  	_ =	strace s2  }
0x95: {  	s2 =	sld [smem:$0x3FFD];
	_ =	sdelay $0x3  }
0x96: {  	_ =	strace s2  }
0x97: {  	_ =	strace $0x8FFFFFFF  }
0x98: {  	s18 =	sld [smem:$0x3FDB];
	_ =	sdelay $0x1  }
0x99: {  	s19 =	simm.s32 $_scs_section_size  }
0x9a: {  	s4 =	simm.s32 $_size__tile_overlayer_lowered;
	s5 =	simm.s32 $_tile_overlayer_lowered  }
0x9b: {  	s22 =	simm.s32 $0x1BFF;
	s21 =	sshll.u32 s5, $0x1;
	s2 =	sadd.s32 s19, s18  }
0x9c: {  	s6 =	simm.s32 $0x0;
	s20 =	sshll.u32 s4, $0x1;
	s4 =	sadd.s32 s21, s2  }
0x9d: {  	[timem:s6], [sflag:s22] =	dma.local [hbm:s4], s20  }
0x9e: {  	_ =	swait.ge [sflag:s22], s20  }
0x9f: {  	s3 =	ssub.s32 $0x0, s20;
	[sflag:s22] =	ssyncset.done $0x0  }
0xa0: {  	[sflag:s22] =	ssyncadd.s32 s3;
	_ =	sdelay $0x1  }
0xa1: {  	s23 =	simm.s32 $0x1B8B  }
0xa2: {  	_ =	swait.ge [sflag:s23], $0x1  }
0xa3: {  	[sflag:s23] =	ssyncset.done $0x0  }
0xa4: {  	s25 =	simm.s32 $0x1B8E;
	s24 =	sld [smem:$0x3FFE];
	[sflag:s23] =	ssyncadd.s32 $0xFFFFFFFF  }
0xa5: {  	s26 =	simm.s32 $execute0_lowered;
	[smem:$0x3FD2] =	sst s25  }
0xa6: {  	s4 =	sshll.u32 s26, $0x1;
	_ =	strace $0x80000049;
	[dreg:$0x1] =	wrdreg $0xFFFFFFFF  }
0xa7: {  	s28 =	simm.s32 $_size_execute0_lowered;
	s2 =	sadd.s32 s2, s4;
	[dreg:$0x0] =	wrdreg $0x0  }
0xa8: {  	s4 =	sshll.u32 s28, $0x1;
	[dreg:$0x2] =	wrdreg s2  }
0xa9: {  	[dreg:$0x3] =	wrdreg s4  }
0xaa: {  	[dreg:$0x4] =	wrdreg $0xC0  }
0xab: {  	_ =	task [dreg:s6], $0x5FFFF  }
0xac: {  	[dreg:$0x1] =	wrdreg $0xFFFFFFFF  }
0xad: {  	[dreg:$0x0] =	wrdreg $0x60  }
0xae: {  	[dreg:$0x2] =	wrdreg s24  }
0xaf: {  	[dreg:$0x3] =	wrdreg $0x9  }
0xb0: {  	_ =	task.clear_ibuf [dreg:s6], $0x4FFFF;
	_ =	strace $0x90000049  }
0xb1: {  	s29 =	simm.s32 $0x9;
	_ =	strace $0x8000004B  }
0xb2: {  	_ =	swait.ge [sflag:s29], $0x1  }
0xb3: {  	[sflag:s29] =	ssyncadd.s32 $0xFFFFFFFF  }
0xb4: {  	_ =	strace $0x9000004B  }
0xb5: {  	_ =	sfence  }
0xb6: {  	s30 =	sld [smem:$0x0];
	_ =	sdelay $0x2  }
0xb7: {  	s31 =	sshll.u32 s1, $0xD;
	s1 =	sshrl.u32 s1, $0x2  }
0xb8: {  	s3 =	sand.u32 $0x4000, s31;
	s1 =	sadd.s32 s1, s30  }
0xb9: {  	s0 =	sor.u32 s3, s0;
	s1 =	sshll.u32 s1, $0x11  }
0xba: {  	s0 =	sor.u32 s1, s0  }
0xbb: {  	s0 =	sadd.s32 $0x8F2B, s0  }
0xbc: {  	[sflag:s0] =	ssyncadd.remote.s32 $0x1  }
0xbd: {  	_ =	sfence.sel $0xFFFF  }
0xbe: {  	[dreg:$0x0] =	wrdreg $0xFFFFFFFF;
	(pc) =	sbr.abs _section_cstart, $3  }
0xbf: {  	[dreg:$0x1] =	wrdreg $0xFFFFFFFF  }
0xc0: {  	_ =	task.clear_ibuf [dreg:s6], $0x2FFFF;
	_ =	strace $0x9FFFFFFF  }
0xc1: {  	(tm) =	ssettm $0x7FFFFFFF  }
tec
execute0_lowered:
.L_overlay_start_1:
0x0: {  	(tag) =	ssettag $0x1  }
0x1: {  	s0 =	srdreg.scid  }
0x2: {  	s2 =	stileid.u32;
	s1 =	rddreg [dreg:$0x0];
	s25 =	simm.s32 $0x10000  }
0x3: {  	s26 =	simm.s32 $0x10080;
	s16 =	simm.s32 $0x1;
	s19 =	simm.s32 $0x1000  }
0x4: {  	s20 =	simm.s32 $0x1800;
	s21 =	simm.s32 $0x2000;
	s22 =	simm.s32 $0x2800  }
0x5: {  	s28 =	simm.s32 $0x5000;
	s29 =	simm.s32 $0x5800;
	s30 =	simm.s32 $0x6000  }
0x6: {  	s31 =	simm.s32 $0x6800;
	s9 =	simm.s32 $0x8000;
	s10 =	simm.s32 $0x8800  }
0x7: {  	s11 =	simm.s32 $0x9000;
	s12 =	simm.s32 $0x9800;
	s13 =	simm.s32 $0xA000  }
0x8: {  	s14 =	simm.s32 $0xA800;
	s0 =	sand.u32 $0x1, s0;
	s3 =	sshll.u32 s2, $0x1  }
0x9: {  	s15 =	simm.s32 $0xB000;
	s2 =	simm.s32 $0x0;
	s4 =	sor.u32 s0, s3  }
0xa: {  	[smem:$0x7FF] =	sst s2;
	s3 =	sadd.s32 $0x1C00, s1;
	s0 =	ssub.s32 $0x2, s0  }
0xb: {  	s5 =	sshll.u32 s4, $0x5;
	_ =	strace $0x8000004A;
	[dreg:$0x6] =	wrdreg s25  }
0xc: {  	s4 =	sshll.u32 s4, $0xD;
	s7 =	sshrl.u32 s0, $0x1;
	[dreg:$0x7] =	wrdreg s26  }
0xd: {  	s25 =	simm.s32 $0x4000;
	s26 =	simm.s32 $0x4800;
	s5 =	sadd.s32 s5, s1  }
0xe: {  	s8 =	sadd.s32 s4, s1;
	s0 =	ssub.s32 s0, s7;
	s6 =	sadd.s32 $0x1800, s5  }
0xf: {  	s4 =	sadd.s32 $0x1D00, s1;
	s5 =	sadd.s32 $0x1810, s5;
	[dreg:$0x2] =	wrdreg s6  }
0x10: {  	s23 =	sadd.s32 $0x81C00, s8;
	s24 =	sadd.s32 $0xC1C00, s8;
	[dreg:$0x3] =	wrdreg s5  }
0x11: {  	v2 =	vlaneseq.u32;
	s7 =	smax.u32 s0, $0x1;
	s8 =	simm.s32 $0x2;
	[dreg:$0x4] =	wrdreg s23  }
0x12: {  	vm0 =	vmmov $0xffff;
	v1 =	vshrl.u32 v2, $0x3;
	s5 =	sadd.s32 $0x1E00, s1;
	s6 =	sadd.s32 $0x1F00, s1;
	[dreg:$0x5] =	wrdreg s24  }
0x13: {  	v0 =	vand.u32 $0x7, v2;
	v2 =	vor.u32 $0x8, v2;
	v1 =	vmul.u32 $0x8, v1;
	s23 =	simm.s32 $0x3000;
	s24 =	simm.s32 $0x3800;
	s1 =	simm.s32 $0x7000  }
.LBB2_1:
0x14: {  	s17 =	rddreg [dreg:$0x2]  }
0x15: {  	s18 =	rddreg [dreg:$0x6]  }
0x16: {  	[tilespmem:s18], [sflag:$0x2] =	stream.linear.gather [hbm4b:s17+s2], $0x80, $0x38;
	[tilespmem:$0x10100] =	vst v63  }
0x17: {  	_ =	swait.ge [sflag:s8], $0x80  }
0x18: {  	s18 =	rddreg [dreg:$0x3];
	[sflag:s8] =	ssyncset.done $0x0  }
0x19: {  	s0 =	rddreg [dreg:$0x7];
	[sflag:s8] =	ssyncadd.s32 $0xFFFFFF80  }
0x1a: {  	[tilespmem:s0], [sflag:$0x2] =	stream.linear.gather [hbm4b:s18+s2], $0x80, $0x38;
	[tilespmem:$0x10100] =	vst v63  }
0x1b: {  	_ =	swait.ge [sflag:s8], $0x80  }
0x1c: {  	[sflag:s8] =	ssyncset.done $0x0  }
0x1d: {  	[sflag:s8] =	ssyncadd.s32 $0xFFFFFF80  }
0x1e: {  	v3 =	vld [tilespmem:$0x10000];
	_ =	sdelay $0x4  }
0x1f: {  	v4 =	vshll.u32 v3, $0x3  }
0x20: {  	v3 =	vand.u32 $0x7, v3;
	v4 =	vand.u32 $0xFFFFFFC0, v4  }
0x21: {  	v3 =	vor.u32 v3, v4  }
0x22: {  	v4 =	vperm.xlane v3, v0;
	_ =	sdelay $0x1  }
0x23: {  	v4 =	vadd.s32 v1, v4;
	_ =	sdelay $0x4  }
0x24: {  	[tilespmem:s2], [sflag:$0x1] =	stream.indirect_vreg.gather [hbm4b:s3+s2], $0x80, v4, vm0, $0xb8;
	[tilespmem:$0x10100] =	vst v63  }
0x25: {  	s18 =	simm.s32 $0x800;
	v3 =	vperm.xlane v3, v2  }
0x26: {  	[tilespmem:s18], [sflag:$0x1] =	stream.indirect_vreg.gather [hbm4b:s4+s2], $0x80, v4, vm0, $0xb8;
	[tilespmem:$0x10100] =	vst v63  }
0x27: {  	v3 =	vadd.s32 v1, v3  }
0x28: {  	[tilespmem:s19], [sflag:$0x1] =	stream.indirect_vreg.gather [hbm4b:s5+s2], $0x80, v4, vm0, $0xb8;
	[tilespmem:$0x10100] =	vst v63  }
0x29: {  	_ = 	snop  }
0x2a: {  	[tilespmem:s20], [sflag:$0x1] =	stream.indirect_vreg.gather [hbm4b:s6+s2], $0x80, v4, vm0, $0xb8;
	[tilespmem:$0x10100] =	vst v63  }
0x2b: {  	_ = 	snop  }
0x2c: {  	[tilespmem:s21], [sflag:$0x1] =	stream.indirect_vreg.gather [hbm4b:s3+s2], $0x80, v3, vm0, $0xb8;
	[tilespmem:$0x10100] =	vst v63  }
0x2d: {  	_ = 	snop  }
0x2e: {  	[tilespmem:s22], [sflag:$0x1] =	stream.indirect_vreg.gather [hbm4b:s4+s2], $0x80, v3, vm0, $0xb8;
	[tilespmem:$0x10100] =	vst v63  }
0x2f: {  	_ = 	snop  }
0x30: {  	[tilespmem:s23], [sflag:$0x1] =	stream.indirect_vreg.gather [hbm4b:s5+s2], $0x80, v3, vm0, $0xb8;
	[tilespmem:$0x10100] =	vst v63  }
0x31: {  	_ = 	snop  }
0x32: {  	[tilespmem:s24], [sflag:$0x1] =	stream.indirect_vreg.gather [hbm4b:s6+s2], $0x80, v3, vm0, $0xb8;
	[tilespmem:$0x10100] =	vst v63  }
0x33: {  	v3 =	vld [tilespmem:$0x10010];
	_ =	sdelay $0x4  }
0x34: {  	v57 =	vshll.u32 v3, $0x3  }
0x35: {  	v3 =	vand.u32 $0x7, v3;
	v4 =	vand.u32 $0xFFFFFFC0, v57  }
0x36: {  	v3 =	vor.u32 v3, v4  }
0x37: {  	v4 =	vperm.xlane v3, v0;
	_ =	sdelay $0x1  }
0x38: {  	v4 =	vadd.s32 v1, v4;
	_ =	sdelay $0x4  }
0x39: {  	[tilespmem:s25], [sflag:$0x1] =	stream.indirect_vreg.gather [hbm4b:s3+s2], $0x80, v4, vm0, $0xb8;
	[tilespmem:$0x10100] =	vst v63  }
0x3a: {  	v3 =	vperm.xlane v3, v2  }
0x3b: {  	[tilespmem:s26], [sflag:$0x1] =	stream.indirect_vreg.gather [hbm4b:s4+s2], $0x80, v4, vm0, $0xb8;
	[tilespmem:$0x10100] =	vst v63  }
0x3c: {  	v3 =	vadd.s32 v1, v3  }
0x3d: {  	[tilespmem:s28], [sflag:$0x1] =	stream.indirect_vreg.gather [hbm4b:s5+s2], $0x80, v4, vm0, $0xb8;
	[tilespmem:$0x10100] =	vst v63  }
0x3e: {  	_ = 	snop  }
0x3f: {  	[tilespmem:s29], [sflag:$0x1] =	stream.indirect_vreg.gather [hbm4b:s6+s2], $0x80, v4, vm0, $0xb8;
	[tilespmem:$0x10100] =	vst v63  }
0x40: {  	_ = 	snop  }
0x41: {  	[tilespmem:s30], [sflag:$0x1] =	stream.indirect_vreg.gather [hbm4b:s3+s2], $0x80, v3, vm0, $0xb8;
	[tilespmem:$0x10100] =	vst v63  }
0x42: {  	_ = 	snop  }
0x43: {  	[tilespmem:s31], [sflag:$0x1] =	stream.indirect_vreg.gather [hbm4b:s4+s2], $0x80, v3, vm0, $0xb8;
	[tilespmem:$0x10100] =	vst v63  }
0x44: {  	_ = 	snop  }
0x45: {  	[tilespmem:s1], [sflag:$0x1] =	stream.indirect_vreg.gather [hbm4b:s5+s2], $0x80, v3, vm0, $0xb8;
	[tilespmem:$0x10100] =	vst v63  }
0x46: {  	s0 =	simm.s32 $0x7800  }
0x47: {  	[tilespmem:s0], [sflag:$0x1] =	stream.indirect_vreg.gather [hbm4b:s6+s2], $0x80, v3, vm0, $0xb8;
	[tilespmem:$0x10100] =	vst v63  }
0x48: {  	v3 =	vld [tilespmem:$0x10020];
	_ =	sdelay $0x4  }
0x49: {  	v58 =	vshll.u32 v3, $0x3  }
0x4a: {  	v3 =	vand.u32 $0x7, v3;
	v4 =	vand.u32 $0xFFFFFFC0, v58  }
0x4b: {  	v3 =	vor.u32 v3, v4  }
0x4c: {  	v4 =	vperm.xlane v3, v0;
	_ =	sdelay $0x1  }
0x4d: {  	v4 =	vadd.s32 v1, v4;
	_ =	sdelay $0x4  }
0x4e: {  	[tilespmem:s9], [sflag:$0x1] =	stream.indirect_vreg.gather [hbm4b:s3+s2], $0x80, v4, vm0, $0xb8;
	[tilespmem:$0x10100] =	vst v63  }
0x4f: {  	v3 =	vperm.xlane v3, v2  }
0x50: {  	[tilespmem:s10], [sflag:$0x1] =	stream.indirect_vreg.gather [hbm4b:s4+s2], $0x80, v4, vm0, $0xb8;
	[tilespmem:$0x10100] =	vst v63  }
0x51: {  	v3 =	vadd.s32 v1, v3  }
0x52: {  	[tilespmem:s11], [sflag:$0x1] =	stream.indirect_vreg.gather [hbm4b:s5+s2], $0x80, v4, vm0, $0xb8;
	[tilespmem:$0x10100] =	vst v63  }
0x53: {  	_ = 	snop  }
0x54: {  	[tilespmem:s12], [sflag:$0x1] =	stream.indirect_vreg.gather [hbm4b:s6+s2], $0x80, v4, vm0, $0xb8;
	[tilespmem:$0x10100] =	vst v63  }
0x55: {  	_ = 	snop  }
0x56: {  	[tilespmem:s13], [sflag:$0x1] =	stream.indirect_vreg.gather [hbm4b:s3+s2], $0x80, v3, vm0, $0xb8;
	[tilespmem:$0x10100] =	vst v63  }
0x57: {  	_ = 	snop  }
0x58: {  	[tilespmem:s14], [sflag:$0x1] =	stream.indirect_vreg.gather [hbm4b:s4+s2], $0x80, v3, vm0, $0xb8;
	[tilespmem:$0x10100] =	vst v63  }
0x59: {  	_ = 	snop  }
0x5a: {  	[tilespmem:s15], [sflag:$0x1] =	stream.indirect_vreg.gather [hbm4b:s5+s2], $0x80, v3, vm0, $0xb8;
	[tilespmem:$0x10100] =	vst v63  }
0x5b: {  	s17 =	simm.s32 $0xB800  }
0x5c: {  	[tilespmem:s17], [sflag:$0x1] =	stream.indirect_vreg.gather [hbm4b:s6+s2], $0x80, v3, vm0, $0xb8;
	[tilespmem:$0x10100] =	vst v63  }
0x5d: {  	v3 =	vld [tilespmem:$0x10030];
	_ =	sdelay $0x4  }
0x5e: {  	v59 =	vshll.u32 v3, $0x3  }
0x5f: {  	v3 =	vand.u32 $0x7, v3;
	v4 =	vand.u32 $0xFFFFFFC0, v59  }
0x60: {  	v3 =	vor.u32 v3, v4  }
0x61: {  	v4 =	vperm.xlane v3, v0;
	_ =	sdelay $0x1  }
0x62: {  	v4 =	vadd.s32 v1, v4;
	_ =	sdelay $0x3  }
0x63: {  	s17 =	simm.s32 $0xC000  }
0x64: {  	[tilespmem:s17], [sflag:$0x1] =	stream.indirect_vreg.gather [hbm4b:s3+s2], $0x80, v4, vm0, $0xb8;
	[tilespmem:$0x10100] =	vst v63  }
0x65: {  	v3 =	vperm.xlane v3, v2;
	s17 =	simm.s32 $0xC800  }
0x66: {  	[tilespmem:s17], [sflag:$0x1] =	stream.indirect_vreg.gather [hbm4b:s4+s2], $0x80, v4, vm0, $0xb8;
	[tilespmem:$0x10100] =	vst v63  }
0x67: {  	v3 =	vadd.s32 v1, v3;
	s17 =	simm.s32 $0xD000  }
0x68: {  	[tilespmem:s17], [sflag:$0x1] =	stream.indirect_vreg.gather [hbm4b:s5+s2], $0x80, v4, vm0, $0xb8;
	[tilespmem:$0x10100] =	vst v63  }
0x69: {  	s17 =	simm.s32 $0xD800  }
0x6a: {  	[tilespmem:s17], [sflag:$0x1] =	stream.indirect_vreg.gather [hbm4b:s6+s2], $0x80, v4, vm0, $0xb8;
	[tilespmem:$0x10100] =	vst v63  }
0x6b: {  	s17 =	simm.s32 $0xE000  }
0x6c: {  	[tilespmem:s17], [sflag:$0x1] =	stream.indirect_vreg.gather [hbm4b:s3+s2], $0x80, v3, vm0, $0xb8;
	[tilespmem:$0x10100] =	vst v63  }
0x6d: {  	s17 =	simm.s32 $0xE800  }
0x6e: {  	[tilespmem:s17], [sflag:$0x1] =	stream.indirect_vreg.gather [hbm4b:s4+s2], $0x80, v3, vm0, $0xb8;
	[tilespmem:$0x10100] =	vst v63  }
0x6f: {  	s17 =	simm.s32 $0xF000  }
0x70: {  	[tilespmem:s17], [sflag:$0x1] =	stream.indirect_vreg.gather [hbm4b:s5+s2], $0x80, v3, vm0, $0xb8;
	[tilespmem:$0x10100] =	vst v63  }
0x71: {  	s17 =	simm.s32 $0xF800  }
0x72: {  	[tilespmem:s17], [sflag:$0x1] =	stream.indirect_vreg.gather [hbm4b:s6+s2], $0x80, v3, vm0, $0xb8;
	[tilespmem:$0x10100] =	vst v63  }
0x73: {  	_ =	swait.ge [sflag:s16], $0x10000  }
0x74: {  	[sflag:s16] =	ssyncset.done $0x0  }
0x75: {  	s17 =	rddreg [dreg:$0x4];
	[sflag:s16] =	ssyncadd.s32 $0xFFFF0000  }
0x76: {  	[hbm4b:s17+s2] =	stream.linear.scatter [tilespmem:s2], [sflag:$0x2], $0x10000, $0x38;
	[tilespmem:$0x10100] =	vst v63  }
0x77: {  	_ =	swait.ge [sflag:s8], $0x10000  }
0x78: {  	[sflag:s8] =	ssyncset.done $0x0  }
0x79: {  	[sflag:s8] =	ssyncadd.s32 $0xFFFF0000  }
0x7a: {  	v3 =	vld [tilespmem:$0x10080];
	_ =	sdelay $0x4  }
0x7b: {  	v60 =	vshll.u32 v3, $0x3  }
0x7c: {  	v3 =	vand.u32 $0x7, v3;
	v4 =	vand.u32 $0xFFFFFFC0, v60  }
0x7d: {  	v3 =	vor.u32 v3, v4  }
0x7e: {  	v4 =	vperm.xlane v3, v0;
	_ =	sdelay $0x1  }
0x7f: {  	v4 =	vadd.s32 v1, v4;
	_ =	sdelay $0x4  }
0x80: {  	[tilespmem:s2], [sflag:$0x1] =	stream.indirect_vreg.gather [hbm4b:s3+s2], $0x80, v4, vm0, $0xb8;
	[tilespmem:$0x10100] =	vst v63  }
0x81: {  	v3 =	vperm.xlane v3, v2  }
0x82: {  	[tilespmem:s18], [sflag:$0x1] =	stream.indirect_vreg.gather [hbm4b:s4+s2], $0x80, v4, vm0, $0xb8;
	[tilespmem:$0x10100] =	vst v63  }
0x83: {  	v3 =	vadd.s32 v1, v3  }
0x84: {  	[tilespmem:s19], [sflag:$0x1] =	stream.indirect_vreg.gather [hbm4b:s5+s2], $0x80, v4, vm0, $0xb8;
	[tilespmem:$0x10100] =	vst v63  }
0x85: {  	_ = 	snop  }
0x86: {  	[tilespmem:s20], [sflag:$0x1] =	stream.indirect_vreg.gather [hbm4b:s6+s2], $0x80, v4, vm0, $0xb8;
	[tilespmem:$0x10100] =	vst v63  }
0x87: {  	_ = 	snop  }
0x88: {  	[tilespmem:s21], [sflag:$0x1] =	stream.indirect_vreg.gather [hbm4b:s3+s2], $0x80, v3, vm0, $0xb8;
	[tilespmem:$0x10100] =	vst v63  }
0x89: {  	_ = 	snop  }
0x8a: {  	[tilespmem:s22], [sflag:$0x1] =	stream.indirect_vreg.gather [hbm4b:s4+s2], $0x80, v3, vm0, $0xb8;
	[tilespmem:$0x10100] =	vst v63  }
0x8b: {  	_ = 	snop  }
0x8c: {  	[tilespmem:s23], [sflag:$0x1] =	stream.indirect_vreg.gather [hbm4b:s5+s2], $0x80, v3, vm0, $0xb8;
	[tilespmem:$0x10100] =	vst v63  }
0x8d: {  	_ = 	snop  }
0x8e: {  	[tilespmem:s24], [sflag:$0x1] =	stream.indirect_vreg.gather [hbm4b:s6+s2], $0x80, v3, vm0, $0xb8;
	[tilespmem:$0x10100] =	vst v63  }
0x8f: {  	v3 =	vld [tilespmem:$0x10090];
	_ =	sdelay $0x4  }
0x90: {  	v61 =	vshll.u32 v3, $0x3  }
0x91: {  	v3 =	vand.u32 $0x7, v3;
	v4 =	vand.u32 $0xFFFFFFC0, v61  }
0x92: {  	v3 =	vor.u32 v3, v4  }
0x93: {  	v4 =	vperm.xlane v3, v0;
	_ =	sdelay $0x1  }
0x94: {  	v4 =	vadd.s32 v1, v4;
	_ =	sdelay $0x4  }
0x95: {  	[tilespmem:s25], [sflag:$0x1] =	stream.indirect_vreg.gather [hbm4b:s3+s2], $0x80, v4, vm0, $0xb8;
	[tilespmem:$0x10100] =	vst v63  }
0x96: {  	v3 =	vperm.xlane v3, v2  }
0x97: {  	[tilespmem:s26], [sflag:$0x1] =	stream.indirect_vreg.gather [hbm4b:s4+s2], $0x80, v4, vm0, $0xb8;
	[tilespmem:$0x10100] =	vst v63  }
0x98: {  	v3 =	vadd.s32 v1, v3  }
0x99: {  	[tilespmem:s28], [sflag:$0x1] =	stream.indirect_vreg.gather [hbm4b:s5+s2], $0x80, v4, vm0, $0xb8;
	[tilespmem:$0x10100] =	vst v63  }
0x9a: {  	_ = 	snop  }
0x9b: {  	[tilespmem:s29], [sflag:$0x1] =	stream.indirect_vreg.gather [hbm4b:s6+s2], $0x80, v4, vm0, $0xb8;
	[tilespmem:$0x10100] =	vst v63  }
0x9c: {  	_ = 	snop  }
0x9d: {  	[tilespmem:s30], [sflag:$0x1] =	stream.indirect_vreg.gather [hbm4b:s3+s2], $0x80, v3, vm0, $0xb8;
	[tilespmem:$0x10100] =	vst v63  }
0x9e: {  	_ = 	snop  }
0x9f: {  	[tilespmem:s31], [sflag:$0x1] =	stream.indirect_vreg.gather [hbm4b:s4+s2], $0x80, v3, vm0, $0xb8;
	[tilespmem:$0x10100] =	vst v63  }
0xa0: {  	_ = 	snop  }
0xa1: {  	[tilespmem:s1], [sflag:$0x1] =	stream.indirect_vreg.gather [hbm4b:s5+s2], $0x80, v3, vm0, $0xb8;
	[tilespmem:$0x10100] =	vst v63  }
0xa2: {  	_ = 	snop  }
0xa3: {  	[tilespmem:s0], [sflag:$0x1] =	stream.indirect_vreg.gather [hbm4b:s6+s2], $0x80, v3, vm0, $0xb8;
	[tilespmem:$0x10100] =	vst v63  }
0xa4: {  	v3 =	vld [tilespmem:$0x100A0];
	_ =	sdelay $0x4  }
0xa5: {  	v62 =	vshll.u32 v3, $0x3  }
0xa6: {  	v3 =	vand.u32 $0x7, v3;
	v4 =	vand.u32 $0xFFFFFFC0, v62  }
0xa7: {  	v3 =	vor.u32 v3, v4  }
0xa8: {  	v4 =	vperm.xlane v3, v0;
	_ =	sdelay $0x1  }
0xa9: {  	v4 =	vadd.s32 v1, v4;
	_ =	sdelay $0x4  }
0xaa: {  	[tilespmem:s9], [sflag:$0x1] =	stream.indirect_vreg.gather [hbm4b:s3+s2], $0x80, v4, vm0, $0xb8;
	[tilespmem:$0x10100] =	vst v63  }
0xab: {  	v3 =	vperm.xlane v3, v2  }
0xac: {  	[tilespmem:s10], [sflag:$0x1] =	stream.indirect_vreg.gather [hbm4b:s4+s2], $0x80, v4, vm0, $0xb8;
	[tilespmem:$0x10100] =	vst v63  }
0xad: {  	v3 =	vadd.s32 v1, v3  }
0xae: {  	[tilespmem:s11], [sflag:$0x1] =	stream.indirect_vreg.gather [hbm4b:s5+s2], $0x80, v4, vm0, $0xb8;
	[tilespmem:$0x10100] =	vst v63  }
0xaf: {  	_ = 	snop  }
0xb0: {  	[tilespmem:s12], [sflag:$0x1] =	stream.indirect_vreg.gather [hbm4b:s6+s2], $0x80, v4, vm0, $0xb8;
	[tilespmem:$0x10100] =	vst v63  }
0xb1: {  	_ = 	snop  }
0xb2: {  	[tilespmem:s13], [sflag:$0x1] =	stream.indirect_vreg.gather [hbm4b:s3+s2], $0x80, v3, vm0, $0xb8;
	[tilespmem:$0x10100] =	vst v63  }
0xb3: {  	_ = 	snop  }
0xb4: {  	[tilespmem:s14], [sflag:$0x1] =	stream.indirect_vreg.gather [hbm4b:s4+s2], $0x80, v3, vm0, $0xb8;
	[tilespmem:$0x10100] =	vst v63  }
0xb5: {  	_ = 	snop  }
0xb6: {  	[tilespmem:s15], [sflag:$0x1] =	stream.indirect_vreg.gather [hbm4b:s5+s2], $0x80, v3, vm0, $0xb8;
	[tilespmem:$0x10100] =	vst v63  }
0xb7: {  	s17 =	simm.s32 $0xB800  }
0xb8: {  	[tilespmem:s17], [sflag:$0x1] =	stream.indirect_vreg.gather [hbm4b:s6+s2], $0x80, v3, vm0, $0xb8;
	[tilespmem:$0x10100] =	vst v63  }
0xb9: {  	v3 =	vld [tilespmem:$0x100B0];
	_ =	sdelay $0x4  }
0xba: {  	v63 =	vshll.u32 v3, $0x3  }
0xbb: {  	v3 =	vand.u32 $0x7, v3;
	v4 =	vand.u32 $0xFFFFFFC0, v63  }
0xbc: {  	v3 =	vor.u32 v3, v4  }
0xbd: {  	v4 =	vperm.xlane v3, v0;
	_ =	sdelay $0x1  }
0xbe: {  	v4 =	vadd.s32 v1, v4;
	_ =	sdelay $0x3  }
0xbf: {  	s18 =	simm.s32 $0xC000  }
0xc0: {  	[tilespmem:s18], [sflag:$0x1] =	stream.indirect_vreg.gather [hbm4b:s3+s2], $0x80, v4, vm0, $0xb8;
	[tilespmem:$0x10100] =	vst v63  }
0xc1: {  	s17 =	simm.s32 $0xC800;
	v3 =	vperm.xlane v3, v2  }
0xc2: {  	[tilespmem:s17], [sflag:$0x1] =	stream.indirect_vreg.gather [hbm4b:s4+s2], $0x80, v4, vm0, $0xb8;
	[tilespmem:$0x10100] =	vst v63  }
0xc3: {  	v3 =	vadd.s32 v1, v3;
	s18 =	simm.s32 $0xD000  }
0xc4: {  	[tilespmem:s18], [sflag:$0x1] =	stream.indirect_vreg.gather [hbm4b:s5+s2], $0x80, v4, vm0, $0xb8;
	[tilespmem:$0x10100] =	vst v63  }
0xc5: {  	s17 =	simm.s32 $0xD800  }
0xc6: {  	[tilespmem:s17], [sflag:$0x1] =	stream.indirect_vreg.gather [hbm4b:s6+s2], $0x80, v4, vm0, $0xb8;
	[tilespmem:$0x10100] =	vst v63  }
0xc7: {  	s18 =	simm.s32 $0xE000  }
0xc8: {  	[tilespmem:s18], [sflag:$0x1] =	stream.indirect_vreg.gather [hbm4b:s3+s2], $0x80, v3, vm0, $0xb8;
	[tilespmem:$0x10100] =	vst v63  }
0xc9: {  	s17 =	simm.s32 $0xE800  }
0xca: {  	[tilespmem:s17], [sflag:$0x1] =	stream.indirect_vreg.gather [hbm4b:s4+s2], $0x80, v3, vm0, $0xb8;
	[tilespmem:$0x10100] =	vst v63  }
0xcb: {  	s18 =	simm.s32 $0xF000  }
0xcc: {  	[tilespmem:s18], [sflag:$0x1] =	stream.indirect_vreg.gather [hbm4b:s5+s2], $0x80, v3, vm0, $0xb8;
	[tilespmem:$0x10100] =	vst v63  }
0xcd: {  	s17 =	simm.s32 $0xF800  }
0xce: {  	[tilespmem:s17], [sflag:$0x1] =	stream.indirect_vreg.gather [hbm4b:s6+s2], $0x80, v3, vm0, $0xb8;
	[tilespmem:$0x10100] =	vst v63  }
0xcf: {  	_ =	swait.ge [sflag:s16], $0x10000  }
0xd0: {  	p0 =	sne.s32 s7, $0x1;
	[sflag:s16] =	ssyncset.done $0x0  }
.Ltmp0:
0xd1: {  	s18 =	rddreg [dreg:$0x5];
	[sflag:s16] =	ssyncadd.s32 $0xFFFF0000;
	(pc) =	sbr.rel @p0 .LBB2_1-.Ltmp0, $4  }
0xd2: {  	[hbm4b:s18+s2] =	stream.linear.scatter [tilespmem:s2], [sflag:$0x2], $0x10000, $0x38;
	[tilespmem:$0x10100] =	vst v63  }
0xd3: {  	_ =	swait.ge [sflag:s8], $0x10000  }
0xd4: {  	[sflag:s8] =	ssyncset.done $0x0  }
0xd5: {  	s7 =	sadd.s32 $0xFFFFFFFF, s7;
	[sflag:s8] =	ssyncadd.s32 $0xFFFF0000  }
0xd6: {  	_ =	sfence.sel $0x180000  }
0xd7: {  	[bflag:$0x0] =	sbarrier.arrive $0xFFFF  }
0xd8: {  	_ =	strace $0x9000004A  }
0xd9: {  	s0 =	stileid.u32;
	[bflag:$0x2] =	sbarrier.arrive $0xFFFF  }
0xda: {  	p0 =	sne.s32 s0, $0x0;
	s0 =	rddreg [dreg:$0x1]  }
0xdb: {  	s0 =	sadd.s32 @!p0 $0x100000, s0  }
0xdc: {  	[sflag:s0] =	ssyncadd.tile.s32 @!p0 $0x1;
	_ =	shalt  }
.Lfunc_end2:
_tile_overlayer_lowered:
.L_overlay_start_2:
0xdd: {  	(tag) =	ssettag $0x2  }
0xde: {  	s0 =	rddreg [dreg:$0x0];
	s2 =	stileid.u32  }
0xdf: {  	s1 =	rddreg [dreg:$0x1];
	p0 =	sne.s32 s2, $0x0  }
0xe0: {  	s3 =	rddreg [dreg:$0x2];
	[bflag:$0x3] =	sbarrier.arrive $0xFFFF;
	s2 =	simm.s32 @!p0 $0x1C02  }
0xe1: {  	[timem:s3], [sflag:s2] =	dma.local @!p0 [hbm:s0], s1  }
0xe2: {  	s0 =	simm.s32 @!p0 $0x2  }
0xe3: {  	_ =	swait.ge @!p0 [sflag:s0], s1  }
0xe4: {  	s1 =	ssub.s32 @!p0 $0x0, s1;
	[sflag:s0] =	ssyncset.done @!p0 $0x0  }
0xe5: {  	[sflag:s0] =	ssyncadd.s32 @!p0 s1  }
0xe6: {  	[bflag:$0x3] =	sbarrier.arrive $0xFFFF  }
0xe7: {  	_ =	shalt  }

// kernel: kernel.8.cloned.1.call-start
scs
__scs_entry_jumppad:
0x0: {  	(pc) =	sbr.rel $0x88, $3  }
0x1: {  	(tag) =	ssettag $0x0;
	lr =	simm.s32 $0x1  }
0x2: {  	[smem:$0x3F9A] =	sst lr;
	_ =	strace $0xD0000000  }
0x3: {  	_ = 	snop  }
0x4: {  	_ = 	snop  }
0x5: {  	_ = 	snop  }
0x6: {  	_ = 	snop  }
0x7: {  	_ = 	snop  }
__scs_overlays_trampoline_lowered:
0x8: {  	[smem:$0x3FA9] =	sst s0  }
0x9: {  	[smem:$0x3FAA] =	sst s1  }
0xa: {  	[smem:$0x3FAB] =	sst s2  }
0xb: {  	[smem:$0x3FAC] =	sst s3  }
0xc: {  	[smem:$0x3FAD] =	sst s4  }
0xd: {  	[smem:$0x3FAE] =	sst s5  }
0xe: {  	[smem:$0x3FAF] =	sst s6  }
0xf: {  	[smem:$0x3FB0] =	sst s7  }
0x10: {  	[smem:$0x3FB1] =	sst s8  }
0x11: {  	[smem:$0x3FB2] =	sst s9;
	s0 =	simm.s32 @!p0 $0x0  }
0x12: {  	s1 =	sld [smem:$0x3F98];
	s0 =	simm.s32 @p0 $0x1  }
0x13: {  	[smem:$0x3FB3] =	sst s0;
	s0 =	simm.s32 @!p1 $0x0  }
0x14: {  	s2 =	sld [smem:$0x3F97];
	s0 =	simm.s32 @p1 $0x1  }
0x15: {  	[smem:$0x3FB4] =	sst s0;
	s0 =	simm.s32 @!p2 $0x0  }
0x16: {  	s3 =	sld [smem:$0x3FDB];
	s0 =	simm.s32 @p2 $0x1  }
0x17: {  	s4 =	simm.s32 $0x1BF5;
	[smem:$0x3FB6] =	sst s0  }
0x18: {  	s0 =	sld [smem:$0x3F99];
	_ =	swait.ge [sflag:s4], $0x0  }
0x19: {  	s7 =	sld [smem:$0x3F9A]  }
0x1a: {  	s8 =	sadd.s32 $0xFFFFE003, lr  }
0x1b: {  	s9 =	sadd.s32 $0xFFFFFEF7, lr;
	s5 =	simm.s32 $0xFFFFFFFF;
	p2 =	slt.u32 s8, $0xFFFFF086  }
0x1c: {  	p1 =	slt.u32 s9, $0xF7A;
	s5 =	simm.s32 @!p2 $0x0  }
0x1d: {  	s5 =	simm.s32 @p1 $0x1;
	p0 =	seq.s32 s7, s2  }
0x1e: {  	s7 =	smul.u32 @!p0 $0xF7A, s2;
	p2 =	seq.s32 @!p0 s5, $0x0  }
0x1f: {  	s9 =	smul.u32 $0xF7A, s1;
	s8 =	simm.s32 @!p0 $0x1BF5;
	p2 =	por !p2, p0  }
0x20: {  	[sflag:s8] =	ssyncset.s32 @!p0 $0xFFFFF086;
	s6 =	sadd.s32 @!p0 s3, s7;
	s7 =	simm.s32 @!p0 $0x108  }
0x21: {  	s3 =	sadd.s32 s3, s9;
	s6 =	sadd.s32 @!p0 $0x88, s6;
	s7 =	simm.s32 @p2 $0x1082  }
0x22: {  	[simem:s7], [sflag:s8] =	dma.local @!p0 [hbm:s6], $0xF7A  }
0x23: {  	s9 =	sor.u32 $0xD0000000, s2;
	s6 =	simm.s32 $0x108;
	_ =	swait.ge @!p0 [sflag:s8], $0x0  }
0x24: {  	s3 =	sadd.s32 $0x88, s3;
	s6 =	simm.s32 @!p1 $0x1082;
	[sflag:s4] =	ssyncset.s32 $0xFFFFF086  }
0x25: {  	[simem:s6], [sflag:s4] =	dma.local [hbm:s3], $0xF7A  }
0x26: {  	[smem:$0x3F9A] =	sst s1;
	(tag) =	ssettag s2;
	_ =	strace s9  }
0x27: {  	s1 =	sld [smem:$0x3FAA]  }
0x28: {  	s2 =	sld [smem:$0x3FAB]  }
0x29: {  	s4 =	sld [smem:$0x3FAD]  }
0x2a: {  	p0 =	seq.s32 s5, $0x0;
	s5 =	sld [smem:$0x3FAE]  }
0x2b: {  	s6 =	sld [smem:$0x3FAF]  }
0x2c: {  	s7 =	sld [smem:$0x3FB0]  }
0x2d: {  	s3 =	simm.s32 $0x108;
	s8 =	sld [smem:$0x3FB1]  }
0x2e: {  	s3 =	simm.s32 @!p0 $0x1082;
	s9 =	sld [smem:$0x3FB2]  }
0x2f: {  	lr =	sadd.s32 s0, s3;
	s0 =	sld [smem:$0x3FA9]  }
0x30: {  	s3 =	sld [smem:$0x3FAC]  }
0x31: {  	[smem:$0x3FB5] =	sst s10  }
0x32: {  	s10 =	sld [smem:$0x3FB3];
	_ =	sdelay $0x3  }
0x33: {  	p0 =	seq.s32 s10, $0x1;
	s10 =	sld [smem:$0x3FB5];
	_ =	sdelay $0x3  }
0x34: {  	[smem:$0x3FB5] =	sst s10  }
0x35: {  	s10 =	sld [smem:$0x3FB4];
	_ =	sdelay $0x3  }
0x36: {  	p1 =	seq.s32 s10, $0x1;
	s10 =	sld [smem:$0x3FB5];
	_ =	sdelay $0x3  }
0x37: {  	[smem:$0x3FB5] =	sst s10  }
0x38: {  	s10 =	sld [smem:$0x3FB6]  }
0x39: {  	_ = 	snop;
	(pc) =	sbr.ind lr, $3  }
0x3a: {  	_ = 	snop  }
0x3b: {  	_ = 	snop  }
0x3c: {  	p2 =	seq.s32 s10, $0x1;
	s10 =	sld [smem:$0x3FB5]  }
0x3d: {  	_ =	shalt  }
0x3e: {  	_ =	shalt  }
0x3f: {  	_ =	shalt  }
0x40: {  	_ =	shalt  }
0x41: {  	_ =	shalt  }
0x42: {  	_ =	shalt  }
0x43: {  	_ =	shalt  }
0x44: {  	_ =	shalt  }
0x45: {  	_ =	shalt  }
0x46: {  	_ =	shalt  }
0x47: {  	_ =	shalt  }
0x48: {  	_ =	shalt  }
0x49: {  	_ =	shalt  }
0x4a: {  	_ =	shalt  }
0x4b: {  	_ =	shalt  }
0x4c: {  	_ =	shalt  }
0x4d: {  	_ =	shalt  }
0x4e: {  	_ =	shalt  }
0x4f: {  	_ =	shalt  }
0x50: {  	_ =	shalt  }
0x51: {  	_ =	shalt  }
0x52: {  	_ =	shalt  }
0x53: {  	_ =	shalt  }
0x54: {  	_ =	shalt  }
0x55: {  	_ =	shalt  }
0x56: {  	_ =	shalt  }
0x57: {  	_ =	shalt  }
0x58: {  	_ =	shalt  }
0x59: {  	_ =	shalt  }
0x5a: {  	_ =	shalt  }
0x5b: {  	_ =	shalt  }
0x5c: {  	_ =	shalt  }
0x5d: {  	_ =	shalt  }
0x5e: {  	_ =	shalt  }
0x5f: {  	_ =	shalt  }
0x60: {  	_ =	shalt  }
0x61: {  	_ =	shalt  }
0x62: {  	_ =	shalt  }
0x63: {  	_ =	shalt  }
0x64: {  	_ =	shalt  }
0x65: {  	_ =	shalt  }
0x66: {  	_ =	shalt  }
0x67: {  	_ =	shalt  }
0x68: {  	_ =	shalt  }
0x69: {  	_ =	shalt  }
0x6a: {  	_ =	shalt  }
0x6b: {  	_ =	shalt  }
0x6c: {  	_ =	shalt  }
0x6d: {  	_ =	shalt  }
0x6e: {  	_ =	shalt  }
0x6f: {  	_ =	shalt  }
0x70: {  	_ =	shalt  }
0x71: {  	_ =	shalt  }
0x72: {  	_ =	shalt  }
0x73: {  	_ =	shalt  }
0x74: {  	_ =	shalt  }
0x75: {  	_ =	shalt  }
0x76: {  	_ =	shalt  }
0x77: {  	_ =	shalt  }
0x78: {  	_ =	shalt  }
0x79: {  	_ =	shalt  }
0x7a: {  	_ =	shalt  }
0x7b: {  	_ =	shalt  }
0x7c: {  	_ =	shalt  }
0x7d: {  	_ =	shalt  }
0x7e: {  	_ =	shalt  }
0x7f: {  	_ =	shalt  }
0x80: {  	_ =	shalt  }
0x81: {  	_ =	shalt  }
0x82: {  	_ =	shalt  }
0x83: {  	_ =	shalt  }
0x84: {  	_ =	shalt  }
0x85: {  	_ =	shalt  }
0x86: {  	_ =	shalt  }
0x87: {  	_ =	shalt  }
.Lfunc_end0:
.L_simem_size_0:
called_computation_lowered:
.L_overlay_start_0:
0x88: {  	s2 =	sld [smem:$0x3FD9]  }
0x89: {  	s3 =	sld [smem:$0x3FFE];
	_ =	sdelay $0x1  }
0x8a: {  	s1 =	srdreg.scid  }
0x8b: {  	s0 =	sand.u32 $0x1, s1  }
0x8c: {  	s17 =	sshll.u32 s0, $0xA;
	s2 =	sadd.s32 s3, s2  }
0x8d: {  	s2 =	sadd.s32 s2, s17  }
0x8e: {  	[smem:$0x3FC1] =	sst s2  }
0x8f: {  	_ = 	snop  }
0x90: {  	s2 =	sld [smem:$0x3FD0];
	(tm) =	ssettm $0x1  }
0x91: {  	s18 =	sld [smem:$0x3FFB];
	_ =	sdelay $0x3  }
0x92: {  	_ =	strace s18  }
0x93: {  	s3 =	sld [smem:$0x3FFC];
	_ =	sdelay $0x3  }
0x94: {  	_ =	strace s3  }
0x95: {  	s3 =	sld [smem:$0x3FFD];
	_ =	sdelay $0x3  }
0x96: {  	_ =	strace s3  }
0x97: {  	_ =	strace $0x8FFFFFFF  }
0x98: {  	s19 =	sld [smem:$0x3FDB];
	_ =	sdelay $0x1  }
0x99: {  	s4 =	simm.s32 $_scs_section_size  }
0x9a: {  	s5 =	simm.s32 $_size__tile_overlayer_lowered;
	s6 =	simm.s32 $_tile_overlayer_lowered  }
0x9b: {  	s22 =	simm.s32 $0x1BFF;
	s21 =	sshll.u32 s6, $0x1;
	s3 =	sadd.s32 s4, s19  }
0x9c: {  	s7 =	simm.s32 $0x0;
	s20 =	sshll.u32 s5, $0x1;
	s5 =	sadd.s32 s21, s3  }
0x9d: {  	[timem:s7], [sflag:s22] =	dma.local [hbm:s5], s20  }
0x9e: {  	_ =	swait.ge [sflag:s22], s20  }
0x9f: {  	s4 =	ssub.s32 $0x0, s20;
	[sflag:s22] =	ssyncset.done $0x0  }
0xa0: {  	[sflag:s22] =	ssyncadd.s32 s4;
	_ =	sdelay $0x1  }
0xa1: {  	s23 =	simm.s32 $0x1B8B  }
0xa2: {  	_ =	swait.ge [sflag:s23], $0x1  }
0xa3: {  	[sflag:s23] =	ssyncset.done $0x0  }
0xa4: {  	s25 =	simm.s32 $0x1B8E;
	s24 =	sld [smem:$0x3FFE];
	[sflag:s23] =	ssyncadd.s32 $0xFFFFFFFF  }
0xa5: {  	s26 =	simm.s32 $execute0_lowered;
	[smem:$0x3FD2] =	sst s25  }
0xa6: {  	s5 =	sshll.u32 s26, $0x1;
	_ =	strace $0x80000046;
	[dreg:$0x1] =	wrdreg $0xFFFFFFFF  }
0xa7: {  	s28 =	simm.s32 $_size_execute0_lowered;
	s3 =	sadd.s32 s3, s5;
	[dreg:$0x0] =	wrdreg $0x0  }
0xa8: {  	s5 =	sshll.u32 s28, $0x1;
	[dreg:$0x2] =	wrdreg s3  }
0xa9: {  	[dreg:$0x3] =	wrdreg s5  }
0xaa: {  	[dreg:$0x4] =	wrdreg $0xC0  }
0xab: {  	_ =	task [dreg:s7], $0x5FFFF  }
0xac: {  	[dreg:$0x1] =	wrdreg $0xFFFFFFFF  }
0xad: {  	[dreg:$0x0] =	wrdreg $0x60  }
0xae: {  	[dreg:$0x2] =	wrdreg s2  }
0xaf: {  	[dreg:$0x3] =	wrdreg s24  }
0xb0: {  	[dreg:$0x4] =	wrdreg $0x9  }
0xb1: {  	_ =	task.clear_ibuf [dreg:s7], $0x5FFFF;
	_ =	strace $0x90000046  }
0xb2: {  	s29 =	simm.s32 $0x9;
	_ =	strace $0x80000048  }
0xb3: {  	_ =	swait.ge [sflag:s29], $0x1  }
0xb4: {  	[sflag:s29] =	ssyncadd.s32 $0xFFFFFFFF  }
0xb5: {  	_ =	strace $0x90000048  }
0xb6: {  	_ =	sfence  }
0xb7: {  	s30 =	sld [smem:$0x0];
	_ =	sdelay $0x2  }
0xb8: {  	s31 =	sshll.u32 s1, $0xD;
	s1 =	sshrl.u32 s1, $0x2  }
0xb9: {  	s3 =	sand.u32 $0x4000, s31;
	s1 =	sadd.s32 s1, s30  }
0xba: {  	s0 =	sor.u32 s3, s0;
	s1 =	sshll.u32 s1, $0x11  }
0xbb: {  	s0 =	sor.u32 s1, s0  }
0xbc: {  	s0 =	sadd.s32 $0x8F2B, s0  }
0xbd: {  	[sflag:s0] =	ssyncadd.remote.s32 $0x1  }
0xbe: {  	_ =	sfence.sel $0xFFFF  }
0xbf: {  	[dreg:$0x0] =	wrdreg $0xFFFFFFFF;
	(pc) =	sbr.abs _section_cstart, $3  }
0xc0: {  	[dreg:$0x1] =	wrdreg $0xFFFFFFFF  }
0xc1: {  	_ =	task.clear_ibuf [dreg:s7], $0x2FFFF;
	_ =	strace $0x9FFFFFFF  }
0xc2: {  	(tm) =	ssettm $0x7FFFFFFF  }
0xc3: {  	_ =	shalt  }
tec
execute0_lowered:
.L_overlay_start_1:
0x0: {  	(tag) =	ssettag $0x1  }
0x1: {  	s0 =	rddreg [dreg:$0x0];
	s1 =	srdreg.scid  }
0x2: {  	s2 =	stileid.u32;
	s6 =	rddreg [dreg:$0x1]  }
0x3: {  	s25 =	simm.s32 $0x10000;
	s8 =	simm.s32 $0x2;
	s26 =	simm.s32 $0x10080  }
0x4: {  	s16 =	simm.s32 $0x1;
	s19 =	simm.s32 $0x1800;
	s20 =	simm.s32 $0x2000  }
0x5: {  	s21 =	simm.s32 $0x2800;
	s28 =	simm.s32 $0x5800;
	s29 =	simm.s32 $0x6000  }
0x6: {  	s30 =	simm.s32 $0x6800;
	s31 =	simm.s32 $0x7000;
	s9 =	simm.s32 $0x8800  }
0x7: {  	s10 =	simm.s32 $0x9000;
	s11 =	simm.s32 $0x9800;
	s12 =	simm.s32 $0xA000  }
0x8: {  	s13 =	simm.s32 $0xA800;
	s14 =	simm.s32 $0xB000;
	s15 =	simm.s32 $0xB800  }
0x9: {  	s1 =	sand.u32 $0x1, s1;
	s3 =	sshll.u32 s2, $0x1;
	s2 =	simm.s32 $0x0  }
0xa: {  	s3 =	sor.u32 s1, s3;
	[smem:$0x7FF] =	sst s2;
	s1 =	ssub.s32 $0x2, s1  }
0xb: {  	s4 =	sshll.u32 s3, $0x5;
	_ =	strace $0x80000047;
	s5 =	sshll.u32 s3, $0xD  }
0xc: {  	s3 =	sadd.s32 $0x1C00, s6;
	s22 =	sshrl.u32 s1, $0x1;
	[dreg:$0x6] =	wrdreg s25  }
0xd: {  	[dreg:$0x7] =	wrdreg s26;
	s25 =	simm.s32 $0x4800;
	s26 =	simm.s32 $0x5000  }
0xe: {  	s4 =	sadd.s32 s4, s6;
	s0 =	sadd.s32 s0, s5;
	s1 =	ssub.s32 s1, s22  }
0xf: {  	s5 =	sadd.s32 $0x1E00, s6;
	s22 =	simm.s32 $0x3000;
	[dreg:$0x3] =	wrdreg s0  }
0x10: {  	v2 =	vlaneseq.u32;
	s23 =	sadd.s32 $0x1800, s4;
	s24 =	sadd.s32 $0x1810, s4;
	s4 =	sadd.s32 $0x1D00, s6  }
0x11: {  	vm0 =	vmmov $0xffff;
	v1 =	vshrl.u32 v2, $0x3;
	s6 =	sadd.s32 $0x1F00, s6;
	s7 =	smax.u32 s1, $0x1;
	[dreg:$0x4] =	wrdreg s23  }
0x12: {  	v0 =	vand.u32 $0x7, v2;
	v2 =	vor.u32 $0x8, v2;
	v1 =	vmul.u32 $0x8, v1;
	[dreg:$0x5] =	wrdreg s24;
	s23 =	simm.s32 $0x3800;
	s24 =	simm.s32 $0x4000  }
.LBB2_1:
0x13: {  	s17 =	rddreg [dreg:$0x3]  }
0x14: {  	[tilespmem:s2], [sflag:$0x2] =	stream.linear.gather [hbm4b:s17+s2], $0x10000, $0x38;
	[tilespmem:$0x10100] =	vst v63  }
0x15: {  	_ =	swait.ge [sflag:s8], $0x10000  }
0x16: {  	s1 =	rddreg [dreg:$0x4];
	[sflag:s8] =	ssyncset.done $0x0  }
0x17: {  	s18 =	rddreg [dreg:$0x6];
	[sflag:s8] =	ssyncadd.s32 $0xFFFF0000  }
0x18: {  	[tilespmem:s18], [sflag:$0x2] =	stream.linear.gather [hbm4b:s1+s2], $0x80, $0x38;
	[tilespmem:$0x10100] =	vst v63  }
0x19: {  	_ =	swait.ge [sflag:s8], $0x80  }
0x1a: {  	s0 =	rddreg [dreg:$0x5];
	[sflag:s8] =	ssyncset.done $0x0  }
0x1b: {  	s1 =	rddreg [dreg:$0x7];
	[sflag:s8] =	ssyncadd.s32 $0xFFFFFF80  }
0x1c: {  	[tilespmem:s1], [sflag:$0x2] =	stream.linear.gather [hbm4b:s0+s2], $0x80, $0x38;
	[tilespmem:$0x10100] =	vst v63  }
0x1d: {  	_ =	swait.ge [sflag:s8], $0x80  }
0x1e: {  	[sflag:s8] =	ssyncset.done $0x0  }
0x1f: {  	[sflag:s8] =	ssyncadd.s32 $0xFFFFFF80  }
0x20: {  	v3 =	vld [tilespmem:$0x10000];
	_ =	sdelay $0x4  }
0x21: {  	v4 =	vshll.u32 v3, $0x3  }
0x22: {  	v3 =	vand.u32 $0x7, v3;
	v4 =	vand.u32 $0xFFFFFFC0, v4  }
0x23: {  	v3 =	vor.u32 v3, v4  }
0x24: {  	v4 =	vperm.xlane v3, v0;
	_ =	sdelay $0x1  }
0x25: {  	v4 =	vadd.s32 v1, v4;
	_ =	sdelay $0x4  }
0x26: {  	[hbm4b:s3+s2] =	stream.indirect_vreg.scatter [tilespmem:s2], [sflag:$0x1], $0x80, v4, vm0, $0xb8;
	[tilespmem:$0x10100] =	vst v63  }
0x27: {  	s17 =	simm.s32 $0x800;
	v3 =	vperm.xlane v3, v2  }
0x28: {  	[hbm4b:s4+s2] =	stream.indirect_vreg.scatter [tilespmem:s17], [sflag:$0x1], $0x80, v4, vm0, $0xb8;
	[tilespmem:$0x10100] =	vst v63  }
0x29: {  	s18 =	simm.s32 $0x1000;
	v3 =	vadd.s32 v1, v3  }
0x2a: {  	[hbm4b:s5+s2] =	stream.indirect_vreg.scatter [tilespmem:s18], [sflag:$0x1], $0x80, v4, vm0, $0xb8;
	[tilespmem:$0x10100] =	vst v63  }
0x2b: {  	_ = 	snop  }
0x2c: {  	[hbm4b:s6+s2] =	stream.indirect_vreg.scatter [tilespmem:s19], [sflag:$0x1], $0x80, v4, vm0, $0xb8;
	[tilespmem:$0x10100] =	vst v63  }
0x2d: {  	_ = 	snop  }
0x2e: {  	[hbm4b:s3+s2] =	stream.indirect_vreg.scatter [tilespmem:s20], [sflag:$0x1], $0x80, v3, vm0, $0xb8;
	[tilespmem:$0x10100] =	vst v63  }
0x2f: {  	_ = 	snop  }
0x30: {  	[hbm4b:s4+s2] =	stream.indirect_vreg.scatter [tilespmem:s21], [sflag:$0x1], $0x80, v3, vm0, $0xb8;
	[tilespmem:$0x10100] =	vst v63  }
0x31: {  	_ = 	snop  }
0x32: {  	[hbm4b:s5+s2] =	stream.indirect_vreg.scatter [tilespmem:s22], [sflag:$0x1], $0x80, v3, vm0, $0xb8;
	[tilespmem:$0x10100] =	vst v63  }
0x33: {  	_ = 	snop  }
0x34: {  	[hbm4b:s6+s2] =	stream.indirect_vreg.scatter [tilespmem:s23], [sflag:$0x1], $0x80, v3, vm0, $0xb8;
	[tilespmem:$0x10100] =	vst v63  }
0x35: {  	v3 =	vld [tilespmem:$0x10010];
	_ =	sdelay $0x4  }
0x36: {  	v57 =	vshll.u32 v3, $0x3  }
0x37: {  	v3 =	vand.u32 $0x7, v3;
	v4 =	vand.u32 $0xFFFFFFC0, v57  }
0x38: {  	v3 =	vor.u32 v3, v4  }
0x39: {  	v4 =	vperm.xlane v3, v0;
	_ =	sdelay $0x1  }
0x3a: {  	v4 =	vadd.s32 v1, v4;
	_ =	sdelay $0x4  }
0x3b: {  	[hbm4b:s3+s2] =	stream.indirect_vreg.scatter [tilespmem:s24], [sflag:$0x1], $0x80, v4, vm0, $0xb8;
	[tilespmem:$0x10100] =	vst v63  }
0x3c: {  	v3 =	vperm.xlane v3, v2  }
0x3d: {  	[hbm4b:s4+s2] =	stream.indirect_vreg.scatter [tilespmem:s25], [sflag:$0x1], $0x80, v4, vm0, $0xb8;
	[tilespmem:$0x10100] =	vst v63  }
0x3e: {  	v3 =	vadd.s32 v1, v3  }
0x3f: {  	[hbm4b:s5+s2] =	stream.indirect_vreg.scatter [tilespmem:s26], [sflag:$0x1], $0x80, v4, vm0, $0xb8;
	[tilespmem:$0x10100] =	vst v63  }
0x40: {  	_ = 	snop  }
0x41: {  	[hbm4b:s6+s2] =	stream.indirect_vreg.scatter [tilespmem:s28], [sflag:$0x1], $0x80, v4, vm0, $0xb8;
	[tilespmem:$0x10100] =	vst v63  }
0x42: {  	_ = 	snop  }
0x43: {  	[hbm4b:s3+s2] =	stream.indirect_vreg.scatter [tilespmem:s29], [sflag:$0x1], $0x80, v3, vm0, $0xb8;
	[tilespmem:$0x10100] =	vst v63  }
0x44: {  	_ = 	snop  }
0x45: {  	[hbm4b:s4+s2] =	stream.indirect_vreg.scatter [tilespmem:s30], [sflag:$0x1], $0x80, v3, vm0, $0xb8;
	[tilespmem:$0x10100] =	vst v63  }
0x46: {  	_ = 	snop  }
0x47: {  	[hbm4b:s5+s2] =	stream.indirect_vreg.scatter [tilespmem:s31], [sflag:$0x1], $0x80, v3, vm0, $0xb8;
	[tilespmem:$0x10100] =	vst v63  }
0x48: {  	s1 =	simm.s32 $0x7800  }
0x49: {  	[hbm4b:s6+s2] =	stream.indirect_vreg.scatter [tilespmem:s1], [sflag:$0x1], $0x80, v3, vm0, $0xb8;
	[tilespmem:$0x10100] =	vst v63  }
0x4a: {  	v3 =	vld [tilespmem:$0x10020];
	_ =	sdelay $0x4  }
0x4b: {  	v58 =	vshll.u32 v3, $0x3  }
0x4c: {  	v3 =	vand.u32 $0x7, v3;
	v4 =	vand.u32 $0xFFFFFFC0, v58  }
0x4d: {  	v3 =	vor.u32 v3, v4  }
0x4e: {  	v4 =	vperm.xlane v3, v0;
	_ =	sdelay $0x1  }
0x4f: {  	v4 =	vadd.s32 v1, v4;
	_ =	sdelay $0x3  }
0x50: {  	s0 =	simm.s32 $0x8000  }
0x51: {  	[hbm4b:s3+s2] =	stream.indirect_vreg.scatter [tilespmem:s0], [sflag:$0x1], $0x80, v4, vm0, $0xb8;
	[tilespmem:$0x10100] =	vst v63  }
0x52: {  	v3 =	vperm.xlane v3, v2  }
0x53: {  	[hbm4b:s4+s2] =	stream.indirect_vreg.scatter [tilespmem:s9], [sflag:$0x1], $0x80, v4, vm0, $0xb8;
	[tilespmem:$0x10100] =	vst v63  }
0x54: {  	v3 =	vadd.s32 v1, v3  }
0x55: {  	[hbm4b:s5+s2] =	stream.indirect_vreg.scatter [tilespmem:s10], [sflag:$0x1], $0x80, v4, vm0, $0xb8;
	[tilespmem:$0x10100] =	vst v63  }
0x56: {  	_ = 	snop  }
0x57: {  	[hbm4b:s6+s2] =	stream.indirect_vreg.scatter [tilespmem:s11], [sflag:$0x1], $0x80, v4, vm0, $0xb8;
	[tilespmem:$0x10100] =	vst v63  }
0x58: {  	_ = 	snop  }
0x59: {  	[hbm4b:s3+s2] =	stream.indirect_vreg.scatter [tilespmem:s12], [sflag:$0x1], $0x80, v3, vm0, $0xb8;
	[tilespmem:$0x10100] =	vst v63  }
0x5a: {  	_ = 	snop  }
0x5b: {  	[hbm4b:s4+s2] =	stream.indirect_vreg.scatter [tilespmem:s13], [sflag:$0x1], $0x80, v3, vm0, $0xb8;
	[tilespmem:$0x10100] =	vst v63  }
0x5c: {  	_ = 	snop  }
0x5d: {  	[hbm4b:s5+s2] =	stream.indirect_vreg.scatter [tilespmem:s14], [sflag:$0x1], $0x80, v3, vm0, $0xb8;
	[tilespmem:$0x10100] =	vst v63  }
0x5e: {  	_ = 	snop  }
0x5f: {  	[hbm4b:s6+s2] =	stream.indirect_vreg.scatter [tilespmem:s15], [sflag:$0x1], $0x80, v3, vm0, $0xb8;
	[tilespmem:$0x10100] =	vst v63  }
0x60: {  	v3 =	vld [tilespmem:$0x10030];
	_ =	sdelay $0x4  }
0x61: {  	v59 =	vshll.u32 v3, $0x3  }
0x62: {  	v3 =	vand.u32 $0x7, v3;
	v4 =	vand.u32 $0xFFFFFFC0, v59  }
0x63: {  	v3 =	vor.u32 v3, v4  }
0x64: {  	v4 =	vperm.xlane v3, v0;
	_ =	sdelay $0x1  }
0x65: {  	v4 =	vadd.s32 v1, v4;
	_ =	sdelay $0x3  }
0x66: {  	s0 =	simm.s32 $0xC000  }
0x67: {  	[hbm4b:s3+s2] =	stream.indirect_vreg.scatter [tilespmem:s0], [sflag:$0x1], $0x80, v4, vm0, $0xb8;
	[tilespmem:$0x10100] =	vst v63  }
0x68: {  	v3 =	vperm.xlane v3, v2;
	s0 =	simm.s32 $0xC800  }
0x69: {  	[hbm4b:s4+s2] =	stream.indirect_vreg.scatter [tilespmem:s0], [sflag:$0x1], $0x80, v4, vm0, $0xb8;
	[tilespmem:$0x10100] =	vst v63  }
0x6a: {  	v3 =	vadd.s32 v1, v3;
	s0 =	simm.s32 $0xD000  }
0x6b: {  	[hbm4b:s5+s2] =	stream.indirect_vreg.scatter [tilespmem:s0], [sflag:$0x1], $0x80, v4, vm0, $0xb8;
	[tilespmem:$0x10100] =	vst v63  }
0x6c: {  	s0 =	simm.s32 $0xD800  }
0x6d: {  	[hbm4b:s6+s2] =	stream.indirect_vreg.scatter [tilespmem:s0], [sflag:$0x1], $0x80, v4, vm0, $0xb8;
	[tilespmem:$0x10100] =	vst v63  }
0x6e: {  	s0 =	simm.s32 $0xE000  }
0x6f: {  	[hbm4b:s3+s2] =	stream.indirect_vreg.scatter [tilespmem:s0], [sflag:$0x1], $0x80, v3, vm0, $0xb8;
	[tilespmem:$0x10100] =	vst v63  }
0x70: {  	s0 =	simm.s32 $0xE800  }
0x71: {  	[hbm4b:s4+s2] =	stream.indirect_vreg.scatter [tilespmem:s0], [sflag:$0x1], $0x80, v3, vm0, $0xb8;
	[tilespmem:$0x10100] =	vst v63  }
0x72: {  	s0 =	simm.s32 $0xF000  }
0x73: {  	[hbm4b:s5+s2] =	stream.indirect_vreg.scatter [tilespmem:s0], [sflag:$0x1], $0x80, v3, vm0, $0xb8;
	[tilespmem:$0x10100] =	vst v63  }
0x74: {  	s0 =	simm.s32 $0xF800  }
0x75: {  	[hbm4b:s6+s2] =	stream.indirect_vreg.scatter [tilespmem:s0], [sflag:$0x1], $0x80, v3, vm0, $0xb8;
	[tilespmem:$0x10100] =	vst v63  }
0x76: {  	_ =	swait.ge [sflag:s16], $0x10000  }
0x77: {  	[sflag:s16] =	ssyncset.done $0x0  }
0x78: {  	[sflag:s16] =	ssyncadd.s32 $0xFFFF0000  }
0x79: {  	v3 =	vld [tilespmem:$0x10080];
	_ =	sdelay $0x4  }
0x7a: {  	v60 =	vshll.u32 v3, $0x3  }
0x7b: {  	v3 =	vand.u32 $0x7, v3;
	v4 =	vand.u32 $0xFFFFFFC0, v60  }
0x7c: {  	v3 =	vor.u32 v3, v4  }
0x7d: {  	v4 =	vperm.xlane v3, v0;
	_ =	sdelay $0x1  }
0x7e: {  	v4 =	vadd.s32 v1, v4;
	_ =	sdelay $0x4  }
0x7f: {  	[hbm4b:s3+s2] =	stream.indirect_vreg.scatter [tilespmem:s2], [sflag:$0x1], $0x80, v4, vm0, $0xb8;
	[tilespmem:$0x10100] =	vst v63  }
0x80: {  	v3 =	vperm.xlane v3, v2  }
0x81: {  	[hbm4b:s4+s2] =	stream.indirect_vreg.scatter [tilespmem:s17], [sflag:$0x1], $0x80, v4, vm0, $0xb8;
	[tilespmem:$0x10100] =	vst v63  }
0x82: {  	v3 =	vadd.s32 v1, v3  }
0x83: {  	[hbm4b:s5+s2] =	stream.indirect_vreg.scatter [tilespmem:s18], [sflag:$0x1], $0x80, v4, vm0, $0xb8;
	[tilespmem:$0x10100] =	vst v63  }
0x84: {  	_ = 	snop  }
0x85: {  	[hbm4b:s6+s2] =	stream.indirect_vreg.scatter [tilespmem:s19], [sflag:$0x1], $0x80, v4, vm0, $0xb8;
	[tilespmem:$0x10100] =	vst v63  }
0x86: {  	_ = 	snop  }
0x87: {  	[hbm4b:s3+s2] =	stream.indirect_vreg.scatter [tilespmem:s20], [sflag:$0x1], $0x80, v3, vm0, $0xb8;
	[tilespmem:$0x10100] =	vst v63  }
0x88: {  	_ = 	snop  }
0x89: {  	[hbm4b:s4+s2] =	stream.indirect_vreg.scatter [tilespmem:s21], [sflag:$0x1], $0x80, v3, vm0, $0xb8;
	[tilespmem:$0x10100] =	vst v63  }
0x8a: {  	_ = 	snop  }
0x8b: {  	[hbm4b:s5+s2] =	stream.indirect_vreg.scatter [tilespmem:s22], [sflag:$0x1], $0x80, v3, vm0, $0xb8;
	[tilespmem:$0x10100] =	vst v63  }
0x8c: {  	_ = 	snop  }
0x8d: {  	[hbm4b:s6+s2] =	stream.indirect_vreg.scatter [tilespmem:s23], [sflag:$0x1], $0x80, v3, vm0, $0xb8;
	[tilespmem:$0x10100] =	vst v63  }
0x8e: {  	v3 =	vld [tilespmem:$0x10090];
	_ =	sdelay $0x4  }
0x8f: {  	v61 =	vshll.u32 v3, $0x3  }
0x90: {  	v3 =	vand.u32 $0x7, v3;
	v4 =	vand.u32 $0xFFFFFFC0, v61  }
0x91: {  	v3 =	vor.u32 v3, v4  }
0x92: {  	v4 =	vperm.xlane v3, v0;
	_ =	sdelay $0x1  }
0x93: {  	v4 =	vadd.s32 v1, v4;
	_ =	sdelay $0x4  }
0x94: {  	[hbm4b:s3+s2] =	stream.indirect_vreg.scatter [tilespmem:s24], [sflag:$0x1], $0x80, v4, vm0, $0xb8;
	[tilespmem:$0x10100] =	vst v63  }
0x95: {  	v3 =	vperm.xlane v3, v2  }
0x96: {  	[hbm4b:s4+s2] =	stream.indirect_vreg.scatter [tilespmem:s25], [sflag:$0x1], $0x80, v4, vm0, $0xb8;
	[tilespmem:$0x10100] =	vst v63  }
0x97: {  	v3 =	vadd.s32 v1, v3  }
0x98: {  	[hbm4b:s5+s2] =	stream.indirect_vreg.scatter [tilespmem:s26], [sflag:$0x1], $0x80, v4, vm0, $0xb8;
	[tilespmem:$0x10100] =	vst v63  }
0x99: {  	_ = 	snop  }
0x9a: {  	[hbm4b:s6+s2] =	stream.indirect_vreg.scatter [tilespmem:s28], [sflag:$0x1], $0x80, v4, vm0, $0xb8;
	[tilespmem:$0x10100] =	vst v63  }
0x9b: {  	_ = 	snop  }
0x9c: {  	[hbm4b:s3+s2] =	stream.indirect_vreg.scatter [tilespmem:s29], [sflag:$0x1], $0x80, v3, vm0, $0xb8;
	[tilespmem:$0x10100] =	vst v63  }
0x9d: {  	_ = 	snop  }
0x9e: {  	[hbm4b:s4+s2] =	stream.indirect_vreg.scatter [tilespmem:s30], [sflag:$0x1], $0x80, v3, vm0, $0xb8;
	[tilespmem:$0x10100] =	vst v63  }
0x9f: {  	_ = 	snop  }
0xa0: {  	[hbm4b:s5+s2] =	stream.indirect_vreg.scatter [tilespmem:s31], [sflag:$0x1], $0x80, v3, vm0, $0xb8;
	[tilespmem:$0x10100] =	vst v63  }
0xa1: {  	_ = 	snop  }
0xa2: {  	[hbm4b:s6+s2] =	stream.indirect_vreg.scatter [tilespmem:s1], [sflag:$0x1], $0x80, v3, vm0, $0xb8;
	[tilespmem:$0x10100] =	vst v63  }
0xa3: {  	v3 =	vld [tilespmem:$0x100A0];
	_ =	sdelay $0x4  }
0xa4: {  	v62 =	vshll.u32 v3, $0x3  }
0xa5: {  	v3 =	vand.u32 $0x7, v3;
	v4 =	vand.u32 $0xFFFFFFC0, v62  }
0xa6: {  	v3 =	vor.u32 v3, v4  }
0xa7: {  	v4 =	vperm.xlane v3, v0;
	_ =	sdelay $0x1  }
0xa8: {  	v4 =	vadd.s32 v1, v4;
	_ =	sdelay $0x3  }
0xa9: {  	s17 =	simm.s32 $0x8000  }
0xaa: {  	[hbm4b:s3+s2] =	stream.indirect_vreg.scatter [tilespmem:s17], [sflag:$0x1], $0x80, v4, vm0, $0xb8;
	[tilespmem:$0x10100] =	vst v63  }
0xab: {  	v3 =	vperm.xlane v3, v2  }
0xac: {  	[hbm4b:s4+s2] =	stream.indirect_vreg.scatter [tilespmem:s9], [sflag:$0x1], $0x80, v4, vm0, $0xb8;
	[tilespmem:$0x10100] =	vst v63  }
0xad: {  	v3 =	vadd.s32 v1, v3  }
0xae: {  	[hbm4b:s5+s2] =	stream.indirect_vreg.scatter [tilespmem:s10], [sflag:$0x1], $0x80, v4, vm0, $0xb8;
	[tilespmem:$0x10100] =	vst v63  }
0xaf: {  	_ = 	snop  }
0xb0: {  	[hbm4b:s6+s2] =	stream.indirect_vreg.scatter [tilespmem:s11], [sflag:$0x1], $0x80, v4, vm0, $0xb8;
	[tilespmem:$0x10100] =	vst v63  }
0xb1: {  	_ = 	snop  }
0xb2: {  	[hbm4b:s3+s2] =	stream.indirect_vreg.scatter [tilespmem:s12], [sflag:$0x1], $0x80, v3, vm0, $0xb8;
	[tilespmem:$0x10100] =	vst v63  }
0xb3: {  	_ = 	snop  }
0xb4: {  	[hbm4b:s4+s2] =	stream.indirect_vreg.scatter [tilespmem:s13], [sflag:$0x1], $0x80, v3, vm0, $0xb8;
	[tilespmem:$0x10100] =	vst v63  }
0xb5: {  	_ = 	snop  }
0xb6: {  	[hbm4b:s5+s2] =	stream.indirect_vreg.scatter [tilespmem:s14], [sflag:$0x1], $0x80, v3, vm0, $0xb8;
	[tilespmem:$0x10100] =	vst v63  }
0xb7: {  	_ = 	snop  }
0xb8: {  	[hbm4b:s6+s2] =	stream.indirect_vreg.scatter [tilespmem:s15], [sflag:$0x1], $0x80, v3, vm0, $0xb8;
	[tilespmem:$0x10100] =	vst v63  }
0xb9: {  	v3 =	vld [tilespmem:$0x100B0];
	_ =	sdelay $0x4  }
0xba: {  	v63 =	vshll.u32 v3, $0x3  }
0xbb: {  	v3 =	vand.u32 $0x7, v3;
	v4 =	vand.u32 $0xFFFFFFC0, v63  }
0xbc: {  	v3 =	vor.u32 v3, v4  }
0xbd: {  	v4 =	vperm.xlane v3, v0;
	_ =	sdelay $0x1  }
0xbe: {  	v4 =	vadd.s32 v1, v4;
	_ =	sdelay $0x3  }
0xbf: {  	s18 =	simm.s32 $0xC000  }
0xc0: {  	[hbm4b:s3+s2] =	stream.indirect_vreg.scatter [tilespmem:s18], [sflag:$0x1], $0x80, v4, vm0, $0xb8;
	[tilespmem:$0x10100] =	vst v63  }
0xc1: {  	s17 =	simm.s32 $0xC800;
	v3 =	vperm.xlane v3, v2  }
0xc2: {  	[hbm4b:s4+s2] =	stream.indirect_vreg.scatter [tilespmem:s17], [sflag:$0x1], $0x80, v4, vm0, $0xb8;
	[tilespmem:$0x10100] =	vst v63  }
0xc3: {  	v3 =	vadd.s32 v1, v3;
	s18 =	simm.s32 $0xD000  }
0xc4: {  	[hbm4b:s5+s2] =	stream.indirect_vreg.scatter [tilespmem:s18], [sflag:$0x1], $0x80, v4, vm0, $0xb8;
	[tilespmem:$0x10100] =	vst v63  }
0xc5: {  	s17 =	simm.s32 $0xD800  }
0xc6: {  	[hbm4b:s6+s2] =	stream.indirect_vreg.scatter [tilespmem:s17], [sflag:$0x1], $0x80, v4, vm0, $0xb8;
	[tilespmem:$0x10100] =	vst v63  }
0xc7: {  	s18 =	simm.s32 $0xE000  }
0xc8: {  	[hbm4b:s3+s2] =	stream.indirect_vreg.scatter [tilespmem:s18], [sflag:$0x1], $0x80, v3, vm0, $0xb8;
	[tilespmem:$0x10100] =	vst v63  }
0xc9: {  	s17 =	simm.s32 $0xE800  }
0xca: {  	[hbm4b:s4+s2] =	stream.indirect_vreg.scatter [tilespmem:s17], [sflag:$0x1], $0x80, v3, vm0, $0xb8;
	[tilespmem:$0x10100] =	vst v63  }
0xcb: {  	p0 =	sne.s32 s7, $0x1;
	s18 =	simm.s32 $0xF000  }
0xcc: {  	[hbm4b:s5+s2] =	stream.indirect_vreg.scatter [tilespmem:s18], [sflag:$0x1], $0x80, v3, vm0, $0xb8;
	[tilespmem:$0x10100] =	vst v63  }
.Ltmp0:
0xcd: {  	_ = 	snop;
	(pc) =	sbr.rel @p0 .LBB2_1-.Ltmp0, $4  }
0xce: {  	[hbm4b:s6+s2] =	stream.indirect_vreg.scatter [tilespmem:s0], [sflag:$0x1], $0x80, v3, vm0, $0xb8;
	[tilespmem:$0x10100] =	vst v63  }
0xcf: {  	_ =	swait.ge [sflag:s16], $0x10000  }
0xd0: {  	[sflag:s16] =	ssyncset.done $0x0  }
0xd1: {  	s7 =	sadd.s32 $0xFFFFFFFF, s7;
	[sflag:s16] =	ssyncadd.s32 $0xFFFF0000  }
0xd2: {  	_ =	sfence.sel $0x180000  }
0xd3: {  	[bflag:$0x0] =	sbarrier.arrive $0xFFFF  }
0xd4: {  	_ =	strace $0x90000047  }
0xd5: {  	s0 =	stileid.u32;
	[bflag:$0x2] =	sbarrier.arrive $0xFFFF  }
0xd6: {  	p0 =	sne.s32 s0, $0x0;
	s0 =	rddreg [dreg:$0x2]  }
0xd7: {  	s0 =	sadd.s32 @!p0 $0x100000, s0  }
0xd8: {  	[sflag:s0] =	ssyncadd.tile.s32 @!p0 $0x1;
	_ =	shalt  }
.Lfunc_end2:
_tile_overlayer_lowered:
.L_overlay_start_2:
0xd9: {  	(tag) =	ssettag $0x2  }
0xda: {  	s0 =	rddreg [dreg:$0x0];
	s2 =	stileid.u32  }
0xdb: {  	s1 =	rddreg [dreg:$0x1];
	p0 =	sne.s32 s2, $0x0  }
0xdc: {  	s3 =	rddreg [dreg:$0x2];
	[bflag:$0x3] =	sbarrier.arrive $0xFFFF;
	s2 =	simm.s32 @!p0 $0x1C02  }
0xdd: {  	[timem:s3], [sflag:s2] =	dma.local @!p0 [hbm:s0], s1  }
0xde: {  	s0 =	simm.s32 @!p0 $0x2  }
0xdf: {  	_ =	swait.ge @!p0 [sflag:s0], s1  }
0xe0: {  	s1 =	ssub.s32 @!p0 $0x0, s1;
	[sflag:s0] =	ssyncset.done @!p0 $0x0  }
0xe1: {  	[sflag:s0] =	ssyncadd.s32 @!p0 s1  }
0xe2: {  	[bflag:$0x3] =	sbarrier.arrive $0xFFFF  }
0xe3: {  	_ =	shalt  }

</sc_bundles>
